<compile_context>
chip_gen: v7x
topology: tpu7x:2x2x1
jax: 0.10.2.dev20260603
libtpu: 0.0.44.dev20260713+nightly
codegen_flags: <defaults>
</compile_context>

<pallas_src>
import functools

import jax
import jax.numpy as jnp
import numpy as np
from jax import lax
from jax.experimental import pallas as pl
from jax.experimental.pallas import tpu as pltpu
from jax.experimental.pallas import tpu_sc as plsc

_B = 64
_N = 512
_TOK = _B * _N
_D = 256
_CPOS = 128
_NAA = 21
_NTOK = 21
_NMETH = 5
_MAXLEN = 2056.0

_NC = 2
_NS = 16
_NW = _NC * _NS
_PER_W = _TOK // _NW
_CH = 64
_NCHUNK = _PER_W // _CH
_PROWS = 520


def _tables_body(so3_ref, r3_ref, cat_ref, sm_ref, aatable_ref, torw_ref,
                 torb_ref, mtable_ref, wpos_ref, wso3_ref, wr3_ref, waa_ref,
                 wcat_ref, wchain_ref, wtors_ref, wmeth_ref, linb_ref,
                 p_out, ch_out, a_out, wt_out, tvec_out, mvec_out, cvec_out):
    f32 = jnp.float32

    def index_table(nrows, max_len, w_ref, zero_from=None):
        rowi = lax.broadcasted_iota(jnp.int32, (nrows, _CPOS // 2), 0)
        row = rowi.astype(f32)
        k = lax.broadcasted_iota(jnp.int32, (nrows, _CPOS // 2), 1).astype(f32)
        inv_div = jnp.exp(k * (-2.0 * np.log(max_len) / _CPOS))
        ang = row * inv_div
        emb = jnp.concatenate([jnp.sin(ang), jnp.cos(ang)], axis=1)
        if zero_from is not None:
            zmask = (lax.broadcasted_iota(jnp.int32, (nrows, _CPOS), 0)
                     < zero_from).astype(f32)
            emb = emb * zmask
        return jnp.dot(emb, w_ref[...], preferred_element_type=f32)

    p_out[...] = index_table(_PROWS, 2056.0, wpos_ref, zero_from=512)
    ch_out[...] = index_table(128, 100.0, wchain_ref)
    a_out[...] = jnp.dot(aatable_ref[...], waa_ref[...],
                         preferred_element_type=f32)
    wt_out[...] = jnp.dot(torw_ref[...], wtors_ref[...],
                          preferred_element_type=f32)
    cvec_out[...] = linb_ref[...] + jnp.dot(torb_ref[...], wtors_ref[...],
                                            preferred_element_type=f32)

    def time_vec(ts_ref, w_ref):
        t = ts_ref[...] * _MAXLEN
        k = lax.broadcasted_iota(jnp.int32, (_B, 64), 1).astype(f32)
        freqs = jnp.exp(k * (-np.log(_MAXLEN) / 63.0))
        emb = t * freqs
        te = jnp.concatenate([jnp.sin(emb), jnp.cos(emb)], axis=1)
        return jnp.dot(te, w_ref[...], preferred_element_type=f32)

    tvec_out[...] = (time_vec(so3_ref, wso3_ref) + time_vec(r3_ref, wr3_ref)
                     + time_vec(cat_ref, wcat_ref))

    mfold = jnp.dot(mtable_ref[...], wmeth_ref[...],
                    preferred_element_type=f32)
    iota5 = lax.broadcasted_iota(jnp.int32, (_B, _NMETH), 1)
    onehot = (sm_ref[...] == iota5).astype(f32)
    mvec_out[...] = jnp.dot(onehot, mfold, preferred_element_type=f32)


def _build_tables(so3_t, r3_t, cat_t, sm, aatable, torw, torb, mtable,
                  wpos, wso3, wr3, waa, wcat, wchain, wtors, wmeth, linb):
    f32 = jnp.float32
    return pl.pallas_call(
        _tables_body,
        out_shape=[
            jax.ShapeDtypeStruct((_PROWS, _D), f32),
            jax.ShapeDtypeStruct((128, _D), f32),
            jax.ShapeDtypeStruct((_NAA, _D), f32),
            jax.ShapeDtypeStruct((14, _D), f32),
            jax.ShapeDtypeStruct((_B, _D), f32),
            jax.ShapeDtypeStruct((_B, _D), f32),
            jax.ShapeDtypeStruct((1, _D), f32),
        ],
    )(so3_t, r3_t, cat_t, sm, aatable, torw, torb, mtable,
      wpos, wso3, wr3, waa, wcat, wchain, wtors, wmeth, linb)


_NBUF = 7

_SC_SCRATCH = (
    [pltpu.VMEM((_PER_W,), jnp.int32),
     pltpu.VMEM((_PER_W,), jnp.float32)]
    + [pltpu.VMEM((_CH, _D), jnp.float32) for _ in range(_NBUF)]
    + [pltpu.SemaphoreType.DMA for _ in range(2 * _NBUF)]
)


def _sc_body(p_hbm, ri_hbm, mask_hbm, out_hbm, ri_v, mask_v, *bufs_and_sems):
    bufs = bufs_and_sems[:_NBUF]
    gsem = bufs_and_sems[_NBUF:2 * _NBUF]
    wsem = bufs_and_sems[2 * _NBUF:]
    wid = lax.axis_index("s") * _NC + lax.axis_index("c")
    base = wid * _PER_W

    pltpu.sync_copy(ri_hbm.at[pl.ds(base, _PER_W)], ri_v)
    pltpu.sync_copy(mask_hbm.at[pl.ds(base, _PER_W)], mask_v)

    def mask_body(i, mc):
        sl = pl.ds(i * 16, 16)
        ri_v[sl] = jnp.where(mask_v[sl] != 0.0, ri_v[sl], 512)
        return mc

    lax.fori_loop(0, _PER_W // 16, mask_body, 0)

    def gather(c, b):
        return pltpu.make_async_copy(
            p_hbm.at[ri_v.at[pl.ds(c * _CH, _CH)]], bufs[b], gsem[b])

    def writeout(c, b):
        return pltpu.make_async_copy(
            bufs[b], out_hbm.at[pl.ds(base + c * _CH, _CH)], wsem[b])

    for c in range(_NBUF):
        gather(c, c).start()
    for c in range(_NCHUNK):
        b = c % _NBUF
        gather(c, b).wait()
        writeout(c, b).start()
        cp = c - 2
        cf = cp + _NBUF
        if cp >= 0 and cf < _NCHUNK:
            writeout(cp, cp % _NBUF).wait()
            gather(cf, cf % _NBUF).start()
    for c in range(_NCHUNK - _NBUF, _NCHUNK):
        writeout(c, c % _NBUF).wait()


_sc_gather_sum = pl.kernel(
    _sc_body,
    out_type=jax.ShapeDtypeStruct((_TOK, _D), jnp.float32),
    mesh=plsc.VectorSubcoreMesh(core_axis_name="c", subcore_axis_name="s",
                                num_cores=_NC, num_subcores=_NS),
    scratch_types=_SC_SCRATCH,
)


_NB = 8


def _combine_body(y1_ref, sc_ref, tors_ref, aa_ref, ch_ref, dm_ref, hot_ref,
                  mask_ref, tvec_ref, mvec_ref, cvec_ref, wsc_ref, wt_ref,
                  ach_ref, wdm_ref, whot_ref, out_ref):
    f32 = jnp.float32
    m = _NB * _N
    y = jnp.dot(sc_ref[...].reshape(m, _NTOK), wsc_ref[...],
                preferred_element_type=f32)
    y = y + jnp.dot(tors_ref[...].reshape(m, 14), wt_ref[...],
                    preferred_element_type=f32)
    iota2 = lax.broadcasted_iota(jnp.int32, (_NB, _N, _NAA + 100),
                                 2).astype(f32)
    aa3 = aa_ref[...][..., None]
    ch3 = ch_ref[...][..., None]
    twohot = ((aa3 == iota2).astype(f32)
              + (ch3 + float(_NAA) == iota2).astype(f32))
    y = y + jnp.dot(twohot.reshape(m, _NAA + 100), ach_ref[...],
                    preferred_element_type=f32)
    y3 = y.reshape(_NB, _N, _D)
    y3 = y3 + dm_ref[...][..., None] * wdm_ref[...][None]
    y3 = y3 + hot_ref[...][..., None] * whot_ref[...][None]
    y3 = y3 + mask_ref[...][..., None] * tvec_ref[...]
    y3 = y3 + (mvec_ref[...] + cvec_ref[...][None])
    out_ref[...] = y3 + y1_ref[...]


def _combine(y1, sc, tors, aa, ch, dm, hot, mask, tvec, mvec, cvec,
             wsc, wt, ach, wdm, whot):
    f32 = jnp.float32
    aux = pl.BlockSpec((_NB, _N), lambda b: (b, 0))
    return pl.pallas_call(
        _combine_body,
        grid=(_B // _NB,),
        in_specs=[
            pl.BlockSpec((_NB, _N, _D), lambda b: (b, 0, 0)),
            pl.BlockSpec((_NB, _N, _NTOK), lambda b: (b, 0, 0)),
            pl.BlockSpec((_NB, _N, 14), lambda b: (b, 0, 0)),
            aux, aux, aux, aux, aux,
            pl.BlockSpec((_NB, 1, _D), lambda b: (b, 0, 0)),
            pl.BlockSpec((_NB, 1, _D), lambda b: (b, 0, 0)),
            pl.BlockSpec((1, _D), lambda b: (0, 0)),
            pl.BlockSpec((_NTOK, _D), lambda b: (0, 0)),
            pl.BlockSpec((14, _D), lambda b: (0, 0)),
            pl.BlockSpec((_NAA + 100, _D), lambda b: (0, 0)),
            pl.BlockSpec((1, _D), lambda b: (0, 0)),
            pl.BlockSpec((1, _D), lambda b: (0, 0)),
        ],
        out_specs=pl.BlockSpec((_NB, _N, _D), lambda b: (b, 0, 0)),
        out_shape=jax.ShapeDtypeStruct((_B, _N, _D), f32),
    )(y1, sc, tors, aa, ch, dm, hot, mask, tvec, mvec, cvec,
      wsc, wt, ach, wdm, whot)


def kernel(so3_t, r3_t, cat_t, res_mask, diffuse_mask, chain_index, res_index,
           aatypes, aatypes_sc, torsions_t, structure_method, hot_spots_mask,
           aatype_table, torsion_W, torsion_b, method_table, lin_W, lin_b):
    f32 = jnp.float32
    i32 = jnp.int32

    offs = {}
    cur = 0
    for name, w in [("pos", _CPOS), ("dm", 1), ("so3", 128), ("r3", 128),
                    ("aa", _D), ("cat", 128), ("sc", _NTOK), ("chain", _CPOS),
                    ("tors", 128), ("meth", 128), ("hot", 1)]:
        offs[name] = (cur, cur + w)
        cur += w

    def wb(name):
        s, e = offs[name]
        return lin_W[s:e]

    p_tab, ch_tab, a_tab, wt_fold, tvec, mvec, cvec = _build_tables(
        so3_t.astype(f32), r3_t.astype(f32), cat_t.astype(f32),
        structure_method.astype(i32), aatype_table.astype(f32),
        torsion_W.astype(f32), torsion_b.reshape(1, 128).astype(f32),
        method_table.astype(f32),
        wb("pos"), wb("so3"), wb("r3"), wb("aa"), wb("cat"), wb("chain"),
        wb("tors"), wb("meth"), lin_b.reshape(1, _D).astype(f32))

    y1 = _sc_gather_sum(
        p_tab,
        res_index.reshape(_TOK).astype(i32),
        res_mask.reshape(_TOK).astype(f32))

    ach = jnp.concatenate([a_tab, ch_tab[:100]], axis=0)

    out = _combine(
        y1.reshape(_B, _N, _D),
        aatypes_sc.astype(f32),
        torsions_t.reshape(_B, _N, 14).astype(f32),
        aatypes.astype(f32),
        chain_index.astype(f32),
        diffuse_mask.astype(f32),
        hot_spots_mask.astype(f32),
        res_mask.astype(f32),
        tvec.reshape(_B, 1, _D),
        mvec.reshape(_B, 1, _D),
        cvec,
        wb("sc"), wt_fold, ach, wb("dm"), wb("hot"))
    return out

# --- scband reference (transcript-rebuilt; emitter-appended) ---
"""Pipeline reference for scband-node-feature-net-79611513798883 (READ-ONLY COPY).

The authoritative reference and input builder live on the scoring server;
editing this copy changes nothing except your own understanding.
"""

import jax, jax.numpy as jnp
import numpy as np

B, N = 64, 512
C_POS = 128
C_T = 128
C_S = 256
N_AA = 21
N_TOK = 21
N_METHODS = 5
MAX_LEN = 2056
EMBED_SIZE = C_POS + 1 + 2 * C_T + (C_S + C_T + N_TOK) + C_POS + C_POS + C_POS + 1  # 1175


def get_index_embedding(indices, embed_size, max_len):
    K = jnp.arange(embed_size // 2, dtype=jnp.float32)
    div = max_len ** (2.0 * K / embed_size)
    ang = indices[..., None].astype(jnp.float32) / div
    return jnp.concatenate([jnp.sin(ang), jnp.cos(ang)], axis=-1)


def get_time_embedding(timesteps, embedding_dim, max_positions=2056):
    t = timesteps.astype(jnp.float32) * max_positions
    half = embedding_dim // 2
    scale = np.log(max_positions) / (half - 1)
    freqs = jnp.exp(jnp.arange(half, dtype=jnp.float32) * -scale)
    emb = t[:, None] * freqs[None, :]
    return jnp.concatenate([jnp.sin(emb), jnp.cos(emb)], axis=-1)


def setup_inputs(seed: int = 0) -> dict:
    key = jax.random.key(seed)
    ks = jax.random.split(key, 18)
    inp = {}
    inp["so3_t"] = jax.random.uniform(ks[0], (B, 1), dtype=jnp.float32)
    inp["r3_t"] = jax.random.uniform(ks[1], (B, 1), dtype=jnp.float32)
    inp["cat_t"] = jax.random.uniform(ks[2], (B, 1), dtype=jnp.float32)
    inp["res_mask"] = jnp.ones((B, N), dtype=jnp.float32)
    inp["diffuse_mask"] = jnp.ones((B, N), dtype=jnp.float32)
    inp["chain_index"] = jax.random.randint(ks[3], (B, N), 0, 100)
    inp["res_index"] = jax.random.randint(ks[4], (B, N), 0, 512)
    inp["aatypes"] = jax.random.randint(ks[5], (B, N), 0, N_AA)
    inp["aatypes_sc"] = jax.random.uniform(ks[6], (B, N, N_TOK), dtype=jnp.float32)
    inp["torsions_t"] = jax.random.normal(ks[7], (B, N, 7, 2), dtype=jnp.float32)
    inp["structure_method"] = jax.random.randint(ks[8], (B, 1), 0, N_METHODS)
    inp["hot_spots_mask"] = jax.random.randint(ks[9], (B, N), 0, 2).astype(jnp.bool_)
    # learned parameters
    inp["aatype_table"] = jax.random.normal(ks[10], (N_AA, C_S), dtype=jnp.float32) * 0.02
    inp["torsion_W"] = jax.random.normal(ks[11], (14, C_POS), dtype=jnp.float32) * 0.02
    inp["torsion_b"] = jnp.zeros((C_POS,), dtype=jnp.float32)
    inp["method_table"] = jax.random.normal(ks[12], (N_METHODS, C_POS), dtype=jnp.float32) * 0.02
    inp["lin_W"] = jax.random.normal(ks[13], (EMBED_SIZE, C_S), dtype=jnp.float32) * 0.02
    inp["lin_b"] = jnp.zeros((C_S,), dtype=jnp.float32)
    return inp


def reference(so3_t, r3_t, cat_t, res_mask, diffuse_mask, chain_index, res_index,
              aatypes, aatypes_sc, torsions_t, structure_method, hot_spots_mask,
              aatype_table, torsion_W, torsion_b, method_table, lin_W, lin_b):
    n = res_mask.shape[1]

    def embed_t(ts):
        te = get_time_embedding(ts[:, 0], C_T, MAX_LEN)[:, None, :]
        te = jnp.tile(te, (1, n, 1))
        return te * res_mask[..., None]

    pos_emb = get_index_embedding(res_index, C_POS, MAX_LEN) * res_mask[..., None]
    feats = [pos_emb, diffuse_mask[..., None], embed_t(so3_t), embed_t(r3_t)]
    # aatype block
    feats.append(jnp.take(aatype_table, aatypes, axis=0))
    feats.append(embed_t(cat_t))
    feats.append(aatypes_sc)
    # chain embedding
    feats.append(get_index_embedding(chain_index, C_POS, 100))
    # torsions
    tors = torsions_t.reshape(torsions_t.shape[0], torsions_t.shape[1], 14)
    feats.append(tors @ torsion_W + torsion_b)
    # structural method
    method_feature = jnp.broadcast_to(structure_method, (structure_method.shape[0], n))
    feats.append(jnp.take(method_table, method_feature, axis=0))
    # hotspots
    feats.append(hot_spots_mask.astype(jnp.float32)[..., None])
    x = jnp.concatenate(feats, axis=-1)
    return x @ lin_W + lin_b

if __name__ == "__main__":
    import jax
    _d = setup_inputs()
    print(jax.jit(kernel)(*tuple(_d.values())))

</pallas_src>

<mosaic_0001>
#map = affine_map<(d0, d1) -> (0, 0)>
#map1 = affine_map<(d0, d1) -> (0)>
module attributes {stable_mosaic.version = 14 : i64} {
  func.func @_sc_body(%arg0: i32, %arg1: i32, %arg2: memref<520x256xf32, #tpu.memory_space<hbm>>, %arg3: memref<32768xi32, #tpu.memory_space<hbm>>, %arg4: memref<32768xf32, #tpu.memory_space<hbm>>, %arg5: memref<32768x256xf32, #tpu.memory_space<hbm>>, %arg6: memref<1024xi32, #tpu.memory_space<vmem>>, %arg7: memref<1024xf32, #tpu.memory_space<vmem>>, %arg8: memref<64x256xf32, #tpu.memory_space<vmem>>, %arg9: memref<64x256xf32, #tpu.memory_space<vmem>>, %arg10: memref<64x256xf32, #tpu.memory_space<vmem>>, %arg11: memref<64x256xf32, #tpu.memory_space<vmem>>, %arg12: memref<64x256xf32, #tpu.memory_space<vmem>>, %arg13: memref<64x256xf32, #tpu.memory_space<vmem>>, %arg14: memref<64x256xf32, #tpu.memory_space<vmem>>, %arg15: memref<!tpu.dma_semaphore, #tpu.memory_space<semaphore_mem>>, %arg16: memref<!tpu.dma_semaphore, #tpu.memory_space<semaphore_mem>>, %arg17: memref<!tpu.dma_semaphore, #tpu.memory_space<semaphore_mem>>, %arg18: memref<!tpu.dma_semaphore, #tpu.memory_space<semaphore_mem>>, %arg19: memref<!tpu.dma_semaphore, #tpu.memory_space<semaphore_mem>>, %arg20: memref<!tpu.dma_semaphore, #tpu.memory_space<semaphore_mem>>, %arg21: memref<!tpu.dma_semaphore, #tpu.memory_space<semaphore_mem>>, %arg22: memref<!tpu.dma_semaphore, #tpu.memory_space<semaphore_mem>>, %arg23: memref<!tpu.dma_semaphore, #tpu.memory_space<semaphore_mem>>, %arg24: memref<!tpu.dma_semaphore, #tpu.memory_space<semaphore_mem>>, %arg25: memref<!tpu.dma_semaphore, #tpu.memory_space<semaphore_mem>>, %arg26: memref<!tpu.dma_semaphore, #tpu.memory_space<semaphore_mem>>, %arg27: memref<!tpu.dma_semaphore, #tpu.memory_space<semaphore_mem>>, %arg28: memref<!tpu.dma_semaphore, #tpu.memory_space<semaphore_mem>>) attributes {dimension_semantics = [#tpu.dimension_semantics<core_parallel>, #tpu.dimension_semantics<subcore_parallel>], iteration_bounds = array<i64: 2, 16>, scalar_prefetch = 0 : i64, scratch_operands = 23 : i64, tpu.core_type = #tpu.core_type<sc_vector_subcore>, window_params = [{transform_indices = #map}, {transform_indices = #map1}, {transform_indices = #map1}, {transform_indices = #map}]} {
    %mul3A = arith.constant 2 : i32
    %mul3A_0 = arith.muli %arg1, %mul3A : i32
    %add3A = arith.addi %mul3A_0, %arg0 : i32
    %mul3A_1 = arith.constant 1024 : i32
    %mul3A_2 = arith.muli %add3A, %mul3A_1 : i32
    "tpu.region"() ({
      %run_scoped3A = tpu.sem_alloc : memref<!tpu.dma_semaphore, #tpu.memory_space<semaphore_mem>>
      %dma_start3A_358 = tpu.memref_slice %arg3[%mul3A_2] : memref<32768xi32, #tpu.memory_space<hbm>> -> memref<1024xi32, #tpu.memory_space<hbm>>
      %dma_start3A_359 = tpu.memref_slice %arg3[%mul3A_2] : memref<32768xi32, #tpu.memory_space<hbm>> -> memref<1024xi32, #tpu.memory_space<hbm>>
      tpu.enqueue_dma source(%dma_start3A_359 : memref<1024xi32, #tpu.memory_space<hbm>>) target(%arg6 : memref<1024xi32, #tpu.memory_space<vmem>>) target_semaphore(%run_scoped3A : memref<!tpu.dma_semaphore, #tpu.memory_space<semaphore_mem>>)
      %dma_wait3A_360 = tpu.memref_slice %arg3[%mul3A_2] : memref<32768xi32, #tpu.memory_space<hbm>> -> memref<1024xi32, #tpu.memory_space<hbm>>
      %dma_wait3A_361 = tpu.memref_slice %arg3[%mul3A_2] : memref<32768xi32, #tpu.memory_space<hbm>> -> memref<1024xi32, #tpu.memory_space<hbm>>
      tpu.wait_dma2 semaphore(%run_scoped3A : memref<!tpu.dma_semaphore, #tpu.memory_space<semaphore_mem>>) src(%dma_wait3A_361 : memref<1024xi32, #tpu.memory_space<hbm>>) dst(%arg6 : memref<1024xi32, #tpu.memory_space<vmem>>)
      tpu.yield
    }) : () -> ()
    "tpu.region"() ({
      %run_scoped3A = tpu.sem_alloc : memref<!tpu.dma_semaphore, #tpu.memory_space<semaphore_mem>>
      %dma_start3A_358 = tpu.memref_slice %arg4[%mul3A_2] : memref<32768xf32, #tpu.memory_space<hbm>> -> memref<1024xf32, #tpu.memory_space<hbm>>
      %dma_start3A_359 = tpu.memref_slice %arg4[%mul3A_2] : memref<32768xf32, #tpu.memory_space<hbm>> -> memref<1024xf32, #tpu.memory_space<hbm>>
      tpu.enqueue_dma source(%dma_start3A_359 : memref<1024xf32, #tpu.memory_space<hbm>>) target(%arg7 : memref<1024xf32, #tpu.memory_space<vmem>>) target_semaphore(%run_scoped3A : memref<!tpu.dma_semaphore, #tpu.memory_space<semaphore_mem>>)
      %dma_wait3A_360 = tpu.memref_slice %arg4[%mul3A_2] : memref<32768xf32, #tpu.memory_space<hbm>> -> memref<1024xf32, #tpu.memory_space<hbm>>
      %dma_wait3A_361 = tpu.memref_slice %arg4[%mul3A_2] : memref<32768xf32, #tpu.memory_space<hbm>> -> memref<1024xf32, #tpu.memory_space<hbm>>
      tpu.wait_dma2 semaphore(%run_scoped3A : memref<!tpu.dma_semaphore, #tpu.memory_space<semaphore_mem>>) src(%dma_wait3A_361 : memref<1024xf32, #tpu.memory_space<hbm>>) dst(%arg7 : memref<1024xf32, #tpu.memory_space<vmem>>)
      tpu.yield
    }) : () -> ()
    %scan3A = arith.constant 0 : i32
    %scan3A_3 = arith.constant 0 : i32
    %scan3A_4 = arith.constant 64 : i32
    %scan3A_5 = arith.addi %scan3A_3, %scan3A_4 : i32
    %scan3A_6 = arith.constant 1 : i32
    scf.for %scan3A_358 = %scan3A_3 to %scan3A_5 step %scan3A_6  : i32 {
      %mul3A_359 = arith.constant 16 : i32
      %mul3A_360 = arith.muli %scan3A_358, %mul3A_359 : i32
      %get3A = arith.index_cast %mul3A_360 : i32 to index
      %get3A_361 = tpu.vector_load %arg7[%get3A] {strides = array<i32>} : memref<1024xf32, #tpu.memory_space<vmem>>, vector<16xf32>,
      %get3A_362 = vector.shape_cast %get3A_361 : vector<16xf32> to vector<16xf32>
      %ne3A = arith.constant 0.000000e+00 : f32
      %ne3A_363 = vector.broadcast %ne3A : f32 to vector<16xf32>
      %ne3A_364 = arith.cmpf one, %get3A_362, %ne3A_363 : vector<16xf32>
      %get3A_365 = arith.index_cast %mul3A_360 : i32 to index
      %get3A_366 = tpu.vector_load %arg6[%get3A_365] {strides = array<i32>} : memref<1024xi32, #tpu.memory_space<vmem>>, vector<16xi32>,
      %get3A_367 = vector.shape_cast %get3A_366 : vector<16xi32> to vector<16xi32>
      %jit3A = arith.constant 512 : i32
      %broadcast_in_dim3A = vector.broadcast %jit3A : i32 to vector<16xi32>
      %select_n3A = arith.select %ne3A_364, %get3A_367, %broadcast_in_dim3A : vector<16xi1>, vector<16xi32>
      %swap3A = arith.index_cast %mul3A_360 : i32 to index
      %swap3A_368 = tpu.vector_load %arg6[%swap3A] {strides = array<i32>} : memref<1024xi32, #tpu.memory_space<vmem>>, vector<16xi32>,
      %swap3A_369 = vector.shape_cast %swap3A_368 : vector<16xi32> to vector<16xi32>
      %swap3A_370 = vector.shape_cast %select_n3A : vector<16xi32> to vector<16xi32>
      tpu.vector_store %arg6[%swap3A], %swap3A_370 {strides = array<i32>} : memref<1024xi32, #tpu.memory_space<vmem>>, vector<16xi32>,
    }
    %scan3A_7 = arith.constant 64 : i32
    %dma_start3A = arith.constant 0 : i32
    %dma_start3A_8 = tpu.memref_slice %arg6[%dma_start3A] : memref<1024xi32, #tpu.memory_space<vmem>> -> memref<64xi32, #tpu.memory_space<vmem>>
    %dma_start3A_9 = arith.constant 0 : i32
    %dma_start3A_10 = arith.constant 0 : i32
    %dma_start3A_11 = tpu.memref_slice %arg2[%dma_start3A_9, %dma_start3A_10] : memref<520x256xf32, #tpu.memory_space<hbm>> -> memref<520x256xf32, #tpu.memory_space<hbm>>
    tpu.enqueue_indirect_dma source(%dma_start3A_11 : memref<520x256xf32, #tpu.memory_space<hbm>>) target(%arg8 : memref<64x256xf32, #tpu.memory_space<vmem>>) offsets(%dma_start3A_8 : memref<64xi32, #tpu.memory_space<vmem>>) semaphore(%arg15 : memref<!tpu.dma_semaphore, #tpu.memory_space<semaphore_mem>>)
    %dma_start3A_12 = arith.constant 64 : i32
    %dma_start3A_13 = tpu.memref_slice %arg6[%dma_start3A_12] : memref<1024xi32, #tpu.memory_space<vmem>> -> memref<64xi32, #tpu.memory_space<vmem>>
    %dma_start3A_14 = arith.constant 0 : i32
    %dma_start3A_15 = arith.constant 0 : i32
    %dma_start3A_16 = tpu.memref_slice %arg2[%dma_start3A_14, %dma_start3A_15] : memref<520x256xf32, #tpu.memory_space<hbm>> -> memref<520x256xf32, #tpu.memory_space<hbm>>
    tpu.enqueue_indirect_dma source(%dma_start3A_16 : memref<520x256xf32, #tpu.memory_space<hbm>>) target(%arg9 : memref<64x256xf32, #tpu.memory_space<vmem>>) offsets(%dma_start3A_13 : memref<64xi32, #tpu.memory_space<vmem>>) semaphore(%arg16 : memref<!tpu.dma_semaphore, #tpu.memory_space<semaphore_mem>>)
    %dma_start3A_17 = arith.constant 128 : i32
    %dma_start3A_18 = tpu.memref_slice %arg6[%dma_start3A_17] : memref<1024xi32, #tpu.memory_space<vmem>> -> memref<64xi32, #tpu.memory_space<vmem>>
    %dma_start3A_19 = arith.constant 0 : i32
    %dma_start3A_20 = arith.constant 0 : i32
    %dma_start3A_21 = tpu.memref_slice %arg2[%dma_start3A_19, %dma_start3A_20] : memref<520x256xf32, #tpu.memory_space<hbm>> -> memref<520x256xf32, #tpu.memory_space<hbm>>
    tpu.enqueue_indirect_dma source(%dma_start3A_21 : memref<520x256xf32, #tpu.memory_space<hbm>>) target(%arg10 : memref<64x256xf32, #tpu.memory_space<vmem>>) offsets(%dma_start3A_18 : memref<64xi32, #tpu.memory_space<vmem>>) semaphore(%arg17 : memref<!tpu.dma_semaphore, #tpu.memory_space<semaphore_mem>>)
    %dma_start3A_22 = arith.constant 192 : i32
    %dma_start3A_23 = tpu.memref_slice %arg6[%dma_start3A_22] : memref<1024xi32, #tpu.memory_space<vmem>> -> memref<64xi32, #tpu.memory_space<vmem>>
    %dma_start3A_24 = arith.constant 0 : i32
    %dma_start3A_25 = arith.constant 0 : i32
    %dma_start3A_26 = tpu.memref_slice %arg2[%dma_start3A_24, %dma_start3A_25] : memref<520x256xf32, #tpu.memory_space<hbm>> -> memref<520x256xf32, #tpu.memory_space<hbm>>
    tpu.enqueue_indirect_dma source(%dma_start3A_26 : memref<520x256xf32, #tpu.memory_space<hbm>>) target(%arg11 : memref<64x256xf32, #tpu.memory_space<vmem>>) offsets(%dma_start3A_23 : memref<64xi32, #tpu.memory_space<vmem>>) semaphore(%arg18 : memref<!tpu.dma_semaphore, #tpu.memory_space<semaphore_mem>>)
    %dma_start3A_27 = arith.constant 256 : i32
    %dma_start3A_28 = tpu.memref_slice %arg6[%dma_start3A_27] : memref<1024xi32, #tpu.memory_space<vmem>> -> memref<64xi32, #tpu.memory_space<vmem>>
    %dma_start3A_29 = arith.constant 0 : i32
    %dma_start3A_30 = arith.constant 0 : i32
    %dma_start3A_31 = tpu.memref_slice %arg2[%dma_start3A_29, %dma_start3A_30] : memref<520x256xf32, #tpu.memory_space<hbm>> -> memref<520x256xf32, #tpu.memory_space<hbm>>
    tpu.enqueue_indirect_dma source(%dma_start3A_31 : memref<520x256xf32, #tpu.memory_space<hbm>>) target(%arg12 : memref<64x256xf32, #tpu.memory_space<vmem>>) offsets(%dma_start3A_28 : memref<64xi32, #tpu.memory_space<vmem>>) semaphore(%arg19 : memref<!tpu.dma_semaphore, #tpu.memory_space<semaphore_mem>>)
    %dma_start3A_32 = arith.constant 320 : i32
    %dma_start3A_33 = tpu.memref_slice %arg6[%dma_start3A_32] : memref<1024xi32, #tpu.memory_space<vmem>> -> memref<64xi32, #tpu.memory_space<vmem>>
    %dma_start3A_34 = arith.constant 0 : i32
    %dma_start3A_35 = arith.constant 0 : i32
    %dma_start3A_36 = tpu.memref_slice %arg2[%dma_start3A_34, %dma_start3A_35] : memref<520x256xf32, #tpu.memory_space<hbm>> -> memref<520x256xf32, #tpu.memory_space<hbm>>
    tpu.enqueue_indirect_dma source(%dma_start3A_36 : memref<520x256xf32, #tpu.memory_space<hbm>>) target(%arg13 : memref<64x256xf32, #tpu.memory_space<vmem>>) offsets(%dma_start3A_33 : memref<64xi32, #tpu.memory_space<vmem>>) semaphore(%arg20 : memref<!tpu.dma_semaphore, #tpu.memory_space<semaphore_mem>>)
    %dma_start3A_37 = arith.constant 384 : i32
    %dma_start3A_38 = tpu.memref_slice %arg6[%dma_start3A_37] : memref<1024xi32, #tpu.memory_space<vmem>> -> memref<64xi32, #tpu.memory_space<vmem>>
    %dma_start3A_39 = arith.constant 0 : i32
    %dma_start3A_40 = arith.constant 0 : i32
    %dma_start3A_41 = tpu.memref_slice %arg2[%dma_start3A_39, %dma_start3A_40] : memref<520x256xf32, #tpu.memory_space<hbm>> -> memref<520x256xf32, #tpu.memory_space<hbm>>
    tpu.enqueue_indirect_dma source(%dma_start3A_41 : memref<520x256xf32, #tpu.memory_space<hbm>>) target(%arg14 : memref<64x256xf32, #tpu.memory_space<vmem>>) offsets(%dma_start3A_38 : memref<64xi32, #tpu.memory_space<vmem>>) semaphore(%arg21 : memref<!tpu.dma_semaphore, #tpu.memory_space<semaphore_mem>>)
    %dma_wait3A = arith.constant 0 : i32
    %dma_wait3A_42 = tpu.memref_slice %arg6[%dma_wait3A] : memref<1024xi32, #tpu.memory_space<vmem>> -> memref<64xi32, #tpu.memory_space<vmem>>
    %dma_wait3A_43 = arith.constant 0 : i32
    %dma_wait3A_44 = arith.constant 0 : i32
    %dma_wait3A_45 = tpu.memref_slice %arg2[%dma_wait3A_43, %dma_wait3A_44] : memref<520x256xf32, #tpu.memory_space<hbm>> -> memref<520x256xf32, #tpu.memory_space<hbm>>
    tpu.wait_indirect_dma semaphore(%arg15 : memref<!tpu.dma_semaphore, #tpu.memory_space<semaphore_mem>>) src(%dma_wait3A_45 : memref<520x256xf32, #tpu.memory_space<hbm>>) dst(%arg8 : memref<64x256xf32, #tpu.memory_space<vmem>>)
    %add3A_46 = arith.constant 0 : i32
    %add3A_47 = arith.addi %mul3A_2, %add3A_46 : i32
    %dma_start3A_48 = arith.constant 0 : i32
    %dma_start3A_49 = tpu.memref_slice %arg5[%add3A_47, %dma_start3A_48] : memref<32768x256xf32, #tpu.memory_space<hbm>> -> memref<64x256xf32, #tpu.memory_space<hbm>>
    %dma_start3A_50 = arith.constant 0 : i32
    %dma_start3A_51 = tpu.memref_slice %arg5[%add3A_47, %dma_start3A_50] : memref<32768x256xf32, #tpu.memory_space<hbm>> -> memref<64x256xf32, #tpu.memory_space<hbm>>
    tpu.enqueue_dma source(%arg8 : memref<64x256xf32, #tpu.memory_space<vmem>>) target(%dma_start3A_51 : memref<64x256xf32, #tpu.memory_space<hbm>>) target_semaphore(%arg22 : memref<!tpu.dma_semaphore, #tpu.memory_space<semaphore_mem>>)
    %dma_wait3A_52 = arith.constant 64 : i32
    %dma_wait3A_53 = tpu.memref_slice %arg6[%dma_wait3A_52] : memref<1024xi32, #tpu.memory_space<vmem>> -> memref<64xi32, #tpu.memory_space<vmem>>
    %dma_wait3A_54 = arith.constant 0 : i32
    %dma_wait3A_55 = arith.constant 0 : i32
    %dma_wait3A_56 = tpu.memref_slice %arg2[%dma_wait3A_54, %dma_wait3A_55] : memref<520x256xf32, #tpu.memory_space<hbm>> -> memref<520x256xf32, #tpu.memory_space<hbm>>
    tpu.wait_indirect_dma semaphore(%arg16 : memref<!tpu.dma_semaphore, #tpu.memory_space<semaphore_mem>>) src(%dma_wait3A_56 : memref<520x256xf32, #tpu.memory_space<hbm>>) dst(%arg9 : memref<64x256xf32, #tpu.memory_space<vmem>>)
    %add3A_57 = arith.constant 64 : i32
    %add3A_58 = arith.addi %mul3A_2, %add3A_57 : i32
    %dma_start3A_59 = arith.constant 0 : i32
    %dma_start3A_60 = tpu.memref_slice %arg5[%add3A_58, %dma_start3A_59] : memref<32768x256xf32, #tpu.memory_space<hbm>> -> memref<64x256xf32, #tpu.memory_space<hbm>>
    %dma_start3A_61 = arith.constant 0 : i32
    %dma_start3A_62 = tpu.memref_slice %arg5[%add3A_58, %dma_start3A_61] : memref<32768x256xf32, #tpu.memory_space<hbm>> -> memref<64x256xf32, #tpu.memory_space<hbm>>
    tpu.enqueue_dma source(%arg9 : memref<64x256xf32, #tpu.memory_space<vmem>>) target(%dma_start3A_62 : memref<64x256xf32, #tpu.memory_space<hbm>>) target_semaphore(%arg23 : memref<!tpu.dma_semaphore, #tpu.memory_space<semaphore_mem>>)
    %dma_wait3A_63 = arith.constant 128 : i32
    %dma_wait3A_64 = tpu.memref_slice %arg6[%dma_wait3A_63] : memref<1024xi32, #tpu.memory_space<vmem>> -> memref<64xi32, #tpu.memory_space<vmem>>
    %dma_wait3A_65 = arith.constant 0 : i32
    %dma_wait3A_66 = arith.constant 0 : i32
    %dma_wait3A_67 = tpu.memref_slice %arg2[%dma_wait3A_65, %dma_wait3A_66] : memref<520x256xf32, #tpu.memory_space<hbm>> -> memref<520x256xf32, #tpu.memory_space<hbm>>
    tpu.wait_indirect_dma semaphore(%arg17 : memref<!tpu.dma_semaphore, #tpu.memory_space<semaphore_mem>>) src(%dma_wait3A_67 : memref<520x256xf32, #tpu.memory_space<hbm>>) dst(%arg10 : memref<64x256xf32, #tpu.memory_space<vmem>>)
    %add3A_68 = arith.constant 128 : i32
    %add3A_69 = arith.addi %mul3A_2, %add3A_68 : i32
    %dma_start3A_70 = arith.constant 0 : i32
    %dma_start3A_71 = tpu.memref_slice %arg5[%add3A_69, %dma_start3A_70] : memref<32768x256xf32, #tpu.memory_space<hbm>> -> memref<64x256xf32, #tpu.memory_space<hbm>>
    %dma_start3A_72 = arith.constant 0 : i32
    %dma_start3A_73 = tpu.memref_slice %arg5[%add3A_69, %dma_start3A_72] : memref<32768x256xf32, #tpu.memory_space<hbm>> -> memref<64x256xf32, #tpu.memory_space<hbm>>
    tpu.enqueue_dma source(%arg10 : memref<64x256xf32, #tpu.memory_space<vmem>>) target(%dma_start3A_73 : memref<64x256xf32, #tpu.memory_space<hbm>>) target_semaphore(%arg24 : memref<!tpu.dma_semaphore, #tpu.memory_space<semaphore_mem>>)
    %add3A_74 = arith.constant 0 : i32
    %add3A_75 = arith.addi %mul3A_2, %add3A_74 : i32
    %dma_wait3A_76 = arith.constant 0 : i32
    %dma_wait3A_77 = tpu.memref_slice %arg5[%add3A_75, %dma_wait3A_76] : memref<32768x256xf32, #tpu.memory_space<hbm>> -> memref<64x256xf32, #tpu.memory_space<hbm>>
    %dma_wait3A_78 = arith.constant 0 : i32
    %dma_wait3A_79 = tpu.memref_slice %arg5[%add3A_75, %dma_wait3A_78] : memref<32768x256xf32, #tpu.memory_space<hbm>> -> memref<64x256xf32, #tpu.memory_space<hbm>>
    tpu.wait_dma2 semaphore(%arg22 : memref<!tpu.dma_semaphore, #tpu.memory_space<semaphore_mem>>) src(%arg8 : memref<64x256xf32, #tpu.memory_space<vmem>>) dst(%dma_wait3A_79 : memref<64x256xf32, #tpu.memory_space<hbm>>)
    %dma_start3A_80 = arith.constant 448 : i32
    %dma_start3A_81 = tpu.memref_slice %arg6[%dma_start3A_80] : memref<1024xi32, #tpu.memory_space<vmem>> -> memref<64xi32, #tpu.memory_space<vmem>>
    %dma_start3A_82 = arith.constant 0 : i32
    %dma_start3A_83 = arith.constant 0 : i32
    %dma_start3A_84 = tpu.memref_slice %arg2[%dma_start3A_82, %dma_start3A_83] : memref<520x256xf32, #tpu.memory_space<hbm>> -> memref<520x256xf32, #tpu.memory_space<hbm>>
    tpu.enqueue_indirect_dma source(%dma_start3A_84 : memref<520x256xf32, #tpu.memory_space<hbm>>) target(%arg8 : memref<64x256xf32, #tpu.memory_space<vmem>>) offsets(%dma_start3A_81 : memref<64xi32, #tpu.memory_space<vmem>>) semaphore(%arg15 : memref<!tpu.dma_semaphore, #tpu.memory_space<semaphore_mem>>)
    %dma_wait3A_85 = arith.constant 192 : i32
    %dma_wait3A_86 = tpu.memref_slice %arg6[%dma_wait3A_85] : memref<1024xi32, #tpu.memory_space<vmem>> -> memref<64xi32, #tpu.memory_space<vmem>>
    %dma_wait3A_87 = arith.constant 0 : i32
    %dma_wait3A_88 = arith.constant 0 : i32
    %dma_wait3A_89 = tpu.memref_slice %arg2[%dma_wait3A_87, %dma_wait3A_88] : memref<520x256xf32, #tpu.memory_space<hbm>> -> memref<520x256xf32, #tpu.memory_space<hbm>>
    tpu.wait_indirect_dma semaphore(%arg18 : memref<!tpu.dma_semaphore, #tpu.memory_space<semaphore_mem>>) src(%dma_wait3A_89 : memref<520x256xf32, #tpu.memory_space<hbm>>) dst(%arg11 : memref<64x256xf32, #tpu.memory_space<vmem>>)
    %add3A_90 = arith.constant 192 : i32
    %add3A_91 = arith.addi %mul3A_2, %add3A_90 : i32
    %dma_start3A_92 = arith.constant 0 : i32
    %dma_start3A_93 = tpu.memref_slice %arg5[%add3A_91, %dma_start3A_92] : memref<32768x256xf32, #tpu.memory_space<hbm>> -> memref<64x256xf32, #tpu.memory_space<hbm>>
    %dma_start3A_94 = arith.constant 0 : i32
    %dma_start3A_95 = tpu.memref_slice %arg5[%add3A_91, %dma_start3A_94] : memref<32768x256xf32, #tpu.memory_space<hbm>> -> memref<64x256xf32, #tpu.memory_space<hbm>>
    tpu.enqueue_dma source(%arg11 : memref<64x256xf32, #tpu.memory_space<vmem>>) target(%dma_start3A_95 : memref<64x256xf32, #tpu.memory_space<hbm>>) target_semaphore(%arg25 : memref<!tpu.dma_semaphore, #tpu.memory_space<semaphore_mem>>)
    %add3A_96 = arith.constant 64 : i32
    %add3A_97 = arith.addi %mul3A_2, %add3A_96 : i32
    %dma_wait3A_98 = arith.constant 0 : i32
    %dma_wait3A_99 = tpu.memref_slice %arg5[%add3A_97, %dma_wait3A_98] : memref<32768x256xf32, #tpu.memory_space<hbm>> -> memref<64x256xf32, #tpu.memory_space<hbm>>
    %dma_wait3A_100 = arith.constant 0 : i32
    %dma_wait3A_101 = tpu.memref_slice %arg5[%add3A_97, %dma_wait3A_100] : memref<32768x256xf32, #tpu.memory_space<hbm>> -> memref<64x256xf32, #tpu.memory_space<hbm>>
    tpu.wait_dma2 semaphore(%arg23 : memref<!tpu.dma_semaphore, #tpu.memory_space<semaphore_mem>>) src(%arg9 : memref<64x256xf32, #tpu.memory_space<vmem>>) dst(%dma_wait3A_101 : memref<64x256xf32, #tpu.memory_space<hbm>>)
    %dma_start3A_102 = arith.constant 512 : i32
    %dma_start3A_103 = tpu.memref_slice %arg6[%dma_start3A_102] : memref<1024xi32, #tpu.memory_space<vmem>> -> memref<64xi32, #tpu.memory_space<vmem>>
    %dma_start3A_104 = arith.constant 0 : i32
    %dma_start3A_105 = arith.constant 0 : i32
    %dma_start3A_106 = tpu.memref_slice %arg2[%dma_start3A_104, %dma_start3A_105] : memref<520x256xf32, #tpu.memory_space<hbm>> -> memref<520x256xf32, #tpu.memory_space<hbm>>
    tpu.enqueue_indirect_dma source(%dma_start3A_106 : memref<520x256xf32, #tpu.memory_space<hbm>>) target(%arg9 : memref<64x256xf32, #tpu.memory_space<vmem>>) offsets(%dma_start3A_103 : memref<64xi32, #tpu.memory_space<vmem>>) semaphore(%arg16 : memref<!tpu.dma_semaphore, #tpu.memory_space<semaphore_mem>>)
    %dma_wait3A_107 = arith.constant 256 : i32
    %dma_wait3A_108 = tpu.memref_slice %arg6[%dma_wait3A_107] : memref<1024xi32, #tpu.memory_space<vmem>> -> memref<64xi32, #tpu.memory_space<vmem>>
    %dma_wait3A_109 = arith.constant 0 : i32
    %dma_wait3A_110 = arith.constant 0 : i32
    %dma_wait3A_111 = tpu.memref_slice %arg2[%dma_wait3A_109, %dma_wait3A_110] : memref<520x256xf32, #tpu.memory_space<hbm>> -> memref<520x256xf32, #tpu.memory_space<hbm>>
    tpu.wait_indirect_dma semaphore(%arg19 : memref<!tpu.dma_semaphore, #tpu.memory_space<semaphore_mem>>) src(%dma_wait3A_111 : memref<520x256xf32, #tpu.memory_space<hbm>>) dst(%arg12 : memref<64x256xf32, #tpu.memory_space<vmem>>)
    %add3A_112 = arith.constant 256 : i32
    %add3A_113 = arith.addi %mul3A_2, %add3A_112 : i32
    %dma_start3A_114 = arith.constant 0 : i32
    %dma_start3A_115 = tpu.memref_slice %arg5[%add3A_113, %dma_start3A_114] : memref<32768x256xf32, #tpu.memory_space<hbm>> -> memref<64x256xf32, #tpu.memory_space<hbm>>
    %dma_start3A_116 = arith.constant 0 : i32
    %dma_start3A_117 = tpu.memref_slice %arg5[%add3A_113, %dma_start3A_116] : memref<32768x256xf32, #tpu.memory_space<hbm>> -> memref<64x256xf32, #tpu.memory_space<hbm>>
    tpu.enqueue_dma source(%arg12 : memref<64x256xf32, #tpu.memory_space<vmem>>) target(%dma_start3A_117 : memref<64x256xf32, #tpu.memory_space<hbm>>) target_semaphore(%arg26 : memref<!tpu.dma_semaphore, #tpu.memory_space<semaphore_mem>>)
    %add3A_118 = arith.constant 128 : i32
    %add3A_119 = arith.addi %mul3A_2, %add3A_118 : i32
    %dma_wait3A_120 = arith.constant 0 : i32
    %dma_wait3A_121 = tpu.memref_slice %arg5[%add3A_119, %dma_wait3A_120] : memref<32768x256xf32, #tpu.memory_space<hbm>> -> memref<64x256xf32, #tpu.memory_space<hbm>>
    %dma_wait3A_122 = arith.constant 0 : i32
    %dma_wait3A_123 = tpu.memref_slice %arg5[%add3A_119, %dma_wait3A_122] : memref<32768x256xf32, #tpu.memory_space<hbm>> -> memref<64x256xf32, #tpu.memory_space<hbm>>
    tpu.wait_dma2 semaphore(%arg24 : memref<!tpu.dma_semaphore, #tpu.memory_space<semaphore_mem>>) src(%arg10 : memref<64x256xf32, #tpu.memory_space<vmem>>) dst(%dma_wait3A_123 : memref<64x256xf32, #tpu.memory_space<hbm>>)
    %dma_start3A_124 = arith.constant 576 : i32
    %dma_start3A_125 = tpu.memref_slice %arg6[%dma_start3A_124] : memref<1024xi32, #tpu.memory_space<vmem>> -> memref<64xi32, #tpu.memory_space<vmem>>
    %dma_start3A_126 = arith.constant 0 : i32
    %dma_start3A_127 = arith.constant 0 : i32
    %dma_start3A_128 = tpu.memref_slice %arg2[%dma_start3A_126, %dma_start3A_127] : memref<520x256xf32, #tpu.memory_space<hbm>> -> memref<520x256xf32, #tpu.memory_space<hbm>>
    tpu.enqueue_indirect_dma source(%dma_start3A_128 : memref<520x256xf32, #tpu.memory_space<hbm>>) target(%arg10 : memref<64x256xf32, #tpu.memory_space<vmem>>) offsets(%dma_start3A_125 : memref<64xi32, #tpu.memory_space<vmem>>) semaphore(%arg17 : memref<!tpu.dma_semaphore, #tpu.memory_space<semaphore_mem>>)
    %dma_wait3A_129 = arith.constant 320 : i32
    %dma_wait3A_130 = tpu.memref_slice %arg6[%dma_wait3A_129] : memref<1024xi32, #tpu.memory_space<vmem>> -> memref<64xi32, #tpu.memory_space<vmem>>
    %dma_wait3A_131 = arith.constant 0 : i32
    %dma_wait3A_132 = arith.constant 0 : i32
    %dma_wait3A_133 = tpu.memref_slice %arg2[%dma_wait3A_131, %dma_wait3A_132] : memref<520x256xf32, #tpu.memory_space<hbm>> -> memref<520x256xf32, #tpu.memory_space<hbm>>
    tpu.wait_indirect_dma semaphore(%arg20 : memref<!tpu.dma_semaphore, #tpu.memory_space<semaphore_mem>>) src(%dma_wait3A_133 : memref<520x256xf32, #tpu.memory_space<hbm>>) dst(%arg13 : memref<64x256xf32, #tpu.memory_space<vmem>>)
    %add3A_134 = arith.constant 320 : i32
    %add3A_135 = arith.addi %mul3A_2, %add3A_134 : i32
    %dma_start3A_136 = arith.constant 0 : i32
    %dma_start3A_137 = tpu.memref_slice %arg5[%add3A_135, %dma_start3A_136] : memref<32768x256xf32, #tpu.memory_space<hbm>> -> memref<64x256xf32, #tpu.memory_space<hbm>>
    %dma_start3A_138 = arith.constant 0 : i32
    %dma_start3A_139 = tpu.memref_slice %arg5[%add3A_135, %dma_start3A_138] : memref<32768x256xf32, #tpu.memory_space<hbm>> -> memref<64x256xf32, #tpu.memory_space<hbm>>
    tpu.enqueue_dma source(%arg13 : memref<64x256xf32, #tpu.memory_space<vmem>>) target(%dma_start3A_139 : memref<64x256xf32, #tpu.memory_space<hbm>>) target_semaphore(%arg27 : memref<!tpu.dma_semaphore, #tpu.memory_space<semaphore_mem>>)
    %add3A_140 = arith.constant 192 : i32
    %add3A_141 = arith.addi %mul3A_2, %add3A_140 : i32
    %dma_wait3A_142 = arith.constant 0 : i32
    %dma_wait3A_143 = tpu.memref_slice %arg5[%add3A_141, %dma_wait3A_142] : memref<32768x256xf32, #tpu.memory_space<hbm>> -> memref<64x256xf32, #tpu.memory_space<hbm>>
    %dma_wait3A_144 = arith.constant 0 : i32
    %dma_wait3A_145 = tpu.memref_slice %arg5[%add3A_141, %dma_wait3A_144] : memref<32768x256xf32, #tpu.memory_space<hbm>> -> memref<64x256xf32, #tpu.memory_space<hbm>>
    tpu.wait_dma2 semaphore(%arg25 : memref<!tpu.dma_semaphore, #tpu.memory_space<semaphore_mem>>) src(%arg11 : memref<64x256xf32, #tpu.memory_space<vmem>>) dst(%dma_wait3A_145 : memref<64x256xf32, #tpu.memory_space<hbm>>)
    %dma_start3A_146 = arith.constant 640 : i32
    %dma_start3A_147 = tpu.memref_slice %arg6[%dma_start3A_146] : memref<1024xi32, #tpu.memory_space<vmem>> -> memref<64xi32, #tpu.memory_space<vmem>>
    %dma_start3A_148 = arith.constant 0 : i32
    %dma_start3A_149 = arith.constant 0 : i32
    %dma_start3A_150 = tpu.memref_slice %arg2[%dma_start3A_148, %dma_start3A_149] : memref<520x256xf32, #tpu.memory_space<hbm>> -> memref<520x256xf32, #tpu.memory_space<hbm>>
    tpu.enqueue_indirect_dma source(%dma_start3A_150 : memref<520x256xf32, #tpu.memory_space<hbm>>) target(%arg11 : memref<64x256xf32, #tpu.memory_space<vmem>>) offsets(%dma_start3A_147 : memref<64xi32, #tpu.memory_space<vmem>>) semaphore(%arg18 : memref<!tpu.dma_semaphore, #tpu.memory_space<semaphore_mem>>)
    %dma_wait3A_151 = arith.constant 384 : i32
    %dma_wait3A_152 = tpu.memref_slice %arg6[%dma_wait3A_151] : memref<1024xi32, #tpu.memory_space<vmem>> -> memref<64xi32, #tpu.memory_space<vmem>>
    %dma_wait3A_153 = arith.constant 0 : i32
    %dma_wait3A_154 = arith.constant 0 : i32
    %dma_wait3A_155 = tpu.memref_slice %arg2[%dma_wait3A_153, %dma_wait3A_154] : memref<520x256xf32, #tpu.memory_space<hbm>> -> memref<520x256xf32, #tpu.memory_space<hbm>>
    tpu.wait_indirect_dma semaphore(%arg21 : memref<!tpu.dma_semaphore, #tpu.memory_space<semaphore_mem>>) src(%dma_wait3A_155 : memref<520x256xf32, #tpu.memory_space<hbm>>) dst(%arg14 : memref<64x256xf32, #tpu.memory_space<vmem>>)
    %add3A_156 = arith.constant 384 : i32
    %add3A_157 = arith.addi %mul3A_2, %add3A_156 : i32
    %dma_start3A_158 = arith.constant 0 : i32
    %dma_start3A_159 = tpu.memref_slice %arg5[%add3A_157, %dma_start3A_158] : memref<32768x256xf32, #tpu.memory_space<hbm>> -> memref<64x256xf32, #tpu.memory_space<hbm>>
    %dma_start3A_160 = arith.constant 0 : i32
    %dma_start3A_161 = tpu.memref_slice %arg5[%add3A_157, %dma_start3A_160] : memref<32768x256xf32, #tpu.memory_space<hbm>> -> memref<64x256xf32, #tpu.memory_space<hbm>>
    tpu.enqueue_dma source(%arg14 : memref<64x256xf32, #tpu.memory_space<vmem>>) target(%dma_start3A_161 : memref<64x256xf32, #tpu.memory_space<hbm>>) target_semaphore(%arg28 : memref<!tpu.dma_semaphore, #tpu.memory_space<semaphore_mem>>)
    %add3A_162 = arith.constant 256 : i32
    %add3A_163 = arith.addi %mul3A_2, %add3A_162 : i32
    %dma_wait3A_164 = arith.constant 0 : i32
    %dma_wait3A_165 = tpu.memref_slice %arg5[%add3A_163, %dma_wait3A_164] : memref<32768x256xf32, #tpu.memory_space<hbm>> -> memref<64x256xf32, #tpu.memory_space<hbm>>
    %dma_wait3A_166 = arith.constant 0 : i32
    %dma_wait3A_167 = tpu.memref_slice %arg5[%add3A_163, %dma_wait3A_166] : memref<32768x256xf32, #tpu.memory_space<hbm>> -> memref<64x256xf32, #tpu.memory_space<hbm>>
    tpu.wait_dma2 semaphore(%arg26 : memref<!tpu.dma_semaphore, #tpu.memory_space<semaphore_mem>>) src(%arg12 : memref<64x256xf32, #tpu.memory_space<vmem>>) dst(%dma_wait3A_167 : memref<64x256xf32, #tpu.memory_space<hbm>>)
    %dma_start3A_168 = arith.constant 704 : i32
    %dma_start3A_169 = tpu.memref_slice %arg6[%dma_start3A_168] : memref<1024xi32, #tpu.memory_space<vmem>> -> memref<64xi32, #tpu.memory_space<vmem>>
    %dma_start3A_170 = arith.constant 0 : i32
    %dma_start3A_171 = arith.constant 0 : i32
    %dma_start3A_172 = tpu.memref_slice %arg2[%dma_start3A_170, %dma_start3A_171] : memref<520x256xf32, #tpu.memory_space<hbm>> -> memref<520x256xf32, #tpu.memory_space<hbm>>
    tpu.enqueue_indirect_dma source(%dma_start3A_172 : memref<520x256xf32, #tpu.memory_space<hbm>>) target(%arg12 : memref<64x256xf32, #tpu.memory_space<vmem>>) offsets(%dma_start3A_169 : memref<64xi32, #tpu.memory_space<vmem>>) semaphore(%arg19 : memref<!tpu.dma_semaphore, #tpu.memory_space<semaphore_mem>>)
    %dma_wait3A_173 = arith.constant 448 : i32
    %dma_wait3A_174 = tpu.memref_slice %arg6[%dma_wait3A_173] : memref<1024xi32, #tpu.memory_space<vmem>> -> memref<64xi32, #tpu.memory_space<vmem>>
    %dma_wait3A_175 = arith.constant 0 : i32
    %dma_wait3A_176 = arith.constant 0 : i32
    %dma_wait3A_177 = tpu.memref_slice %arg2[%dma_wait3A_175, %dma_wait3A_176] : memref<520x256xf32, #tpu.memory_space<hbm>> -> memref<520x256xf32, #tpu.memory_space<hbm>>
    tpu.wait_indirect_dma semaphore(%arg15 : memref<!tpu.dma_semaphore, #tpu.memory_space<semaphore_mem>>) src(%dma_wait3A_177 : memref<520x256xf32, #tpu.memory_space<hbm>>) dst(%arg8 : memref<64x256xf32, #tpu.memory_space<vmem>>)
    %add3A_178 = arith.constant 448 : i32
    %add3A_179 = arith.addi %mul3A_2, %add3A_178 : i32
    %dma_start3A_180 = arith.constant 0 : i32
    %dma_start3A_181 = tpu.memref_slice %arg5[%add3A_179, %dma_start3A_180] : memref<32768x256xf32, #tpu.memory_space<hbm>> -> memref<64x256xf32, #tpu.memory_space<hbm>>
    %dma_start3A_182 = arith.constant 0 : i32
    %dma_start3A_183 = tpu.memref_slice %arg5[%add3A_179, %dma_start3A_182] : memref<32768x256xf32, #tpu.memory_space<hbm>> -> memref<64x256xf32, #tpu.memory_space<hbm>>
    tpu.enqueue_dma source(%arg8 : memref<64x256xf32, #tpu.memory_space<vmem>>) target(%dma_start3A_183 : memref<64x256xf32, #tpu.memory_space<hbm>>) target_semaphore(%arg22 : memref<!tpu.dma_semaphore, #tpu.memory_space<semaphore_mem>>)
    %add3A_184 = arith.constant 320 : i32
    %add3A_185 = arith.addi %mul3A_2, %add3A_184 : i32
    %dma_wait3A_186 = arith.constant 0 : i32
    %dma_wait3A_187 = tpu.memref_slice %arg5[%add3A_185, %dma_wait3A_186] : memref<32768x256xf32, #tpu.memory_space<hbm>> -> memref<64x256xf32, #tpu.memory_space<hbm>>
    %dma_wait3A_188 = arith.constant 0 : i32
    %dma_wait3A_189 = tpu.memref_slice %arg5[%add3A_185, %dma_wait3A_188] : memref<32768x256xf32, #tpu.memory_space<hbm>> -> memref<64x256xf32, #tpu.memory_space<hbm>>
    tpu.wait_dma2 semaphore(%arg27 : memref<!tpu.dma_semaphore, #tpu.memory_space<semaphore_mem>>) src(%arg13 : memref<64x256xf32, #tpu.memory_space<vmem>>) dst(%dma_wait3A_189 : memref<64x256xf32, #tpu.memory_space<hbm>>)
    %dma_start3A_190 = arith.constant 768 : i32
    %dma_start3A_191 = tpu.memref_slice %arg6[%dma_start3A_190] : memref<1024xi32, #tpu.memory_space<vmem>> -> memref<64xi32, #tpu.memory_space<vmem>>
    %dma_start3A_192 = arith.constant 0 : i32
    %dma_start3A_193 = arith.constant 0 : i32
    %dma_start3A_194 = tpu.memref_slice %arg2[%dma_start3A_192, %dma_start3A_193] : memref<520x256xf32, #tpu.memory_space<hbm>> -> memref<520x256xf32, #tpu.memory_space<hbm>>
    tpu.enqueue_indirect_dma source(%dma_start3A_194 : memref<520x256xf32, #tpu.memory_space<hbm>>) target(%arg13 : memref<64x256xf32, #tpu.memory_space<vmem>>) offsets(%dma_start3A_191 : memref<64xi32, #tpu.memory_space<vmem>>) semaphore(%arg20 : memref<!tpu.dma_semaphore, #tpu.memory_space<semaphore_mem>>)
    %dma_wait3A_195 = arith.constant 512 : i32
    %dma_wait3A_196 = tpu.memref_slice %arg6[%dma_wait3A_195] : memref<1024xi32, #tpu.memory_space<vmem>> -> memref<64xi32, #tpu.memory_space<vmem>>
    %dma_wait3A_197 = arith.constant 0 : i32
    %dma_wait3A_198 = arith.constant 0 : i32
    %dma_wait3A_199 = tpu.memref_slice %arg2[%dma_wait3A_197, %dma_wait3A_198] : memref<520x256xf32, #tpu.memory_space<hbm>> -> memref<520x256xf32, #tpu.memory_space<hbm>>
    tpu.wait_indirect_dma semaphore(%arg16 : memref<!tpu.dma_semaphore, #tpu.memory_space<semaphore_mem>>) src(%dma_wait3A_199 : memref<520x256xf32, #tpu.memory_space<hbm>>) dst(%arg9 : memref<64x256xf32, #tpu.memory_space<vmem>>)
    %add3A_200 = arith.constant 512 : i32
    %add3A_201 = arith.addi %mul3A_2, %add3A_200 : i32
    %dma_start3A_202 = arith.constant 0 : i32
    %dma_start3A_203 = tpu.memref_slice %arg5[%add3A_201, %dma_start3A_202] : memref<32768x256xf32, #tpu.memory_space<hbm>> -> memref<64x256xf32, #tpu.memory_space<hbm>>
    %dma_start3A_204 = arith.constant 0 : i32
    %dma_start3A_205 = tpu.memref_slice %arg5[%add3A_201, %dma_start3A_204] : memref<32768x256xf32, #tpu.memory_space<hbm>> -> memref<64x256xf32, #tpu.memory_space<hbm>>
    tpu.enqueue_dma source(%arg9 : memref<64x256xf32, #tpu.memory_space<vmem>>) target(%dma_start3A_205 : memref<64x256xf32, #tpu.memory_space<hbm>>) target_semaphore(%arg23 : memref<!tpu.dma_semaphore, #tpu.memory_space<semaphore_mem>>)
    %add3A_206 = arith.constant 384 : i32
    %add3A_207 = arith.addi %mul3A_2, %add3A_206 : i32
    %dma_wait3A_208 = arith.constant 0 : i32
    %dma_wait3A_209 = tpu.memref_slice %arg5[%add3A_207, %dma_wait3A_208] : memref<32768x256xf32, #tpu.memory_space<hbm>> -> memref<64x256xf32, #tpu.memory_space<hbm>>
    %dma_wait3A_210 = arith.constant 0 : i32
    %dma_wait3A_211 = tpu.memref_slice %arg5[%add3A_207, %dma_wait3A_210] : memref<32768x256xf32, #tpu.memory_space<hbm>> -> memref<64x256xf32, #tpu.memory_space<hbm>>
    tpu.wait_dma2 semaphore(%arg28 : memref<!tpu.dma_semaphore, #tpu.memory_space<semaphore_mem>>) src(%arg14 : memref<64x256xf32, #tpu.memory_space<vmem>>) dst(%dma_wait3A_211 : memref<64x256xf32, #tpu.memory_space<hbm>>)
    %dma_start3A_212 = arith.constant 832 : i32
    %dma_start3A_213 = tpu.memref_slice %arg6[%dma_start3A_212] : memref<1024xi32, #tpu.memory_space<vmem>> -> memref<64xi32, #tpu.memory_space<vmem>>
    %dma_start3A_214 = arith.constant 0 : i32
    %dma_start3A_215 = arith.constant 0 : i32
    %dma_start3A_216 = tpu.memref_slice %arg2[%dma_start3A_214, %dma_start3A_215] : memref<520x256xf32, #tpu.memory_space<hbm>> -> memref<520x256xf32, #tpu.memory_space<hbm>>
    tpu.enqueue_indirect_dma source(%dma_start3A_216 : memref<520x256xf32, #tpu.memory_space<hbm>>) target(%arg14 : memref<64x256xf32, #tpu.memory_space<vmem>>) offsets(%dma_start3A_213 : memref<64xi32, #tpu.memory_space<vmem>>) semaphore(%arg21 : memref<!tpu.dma_semaphore, #tpu.memory_space<semaphore_mem>>)
    %dma_wait3A_217 = arith.constant 576 : i32
    %dma_wait3A_218 = tpu.memref_slice %arg6[%dma_wait3A_217] : memref<1024xi32, #tpu.memory_space<vmem>> -> memref<64xi32, #tpu.memory_space<vmem>>
    %dma_wait3A_219 = arith.constant 0 : i32
    %dma_wait3A_220 = arith.constant 0 : i32
    %dma_wait3A_221 = tpu.memref_slice %arg2[%dma_wait3A_219, %dma_wait3A_220] : memref<520x256xf32, #tpu.memory_space<hbm>> -> memref<520x256xf32, #tpu.memory_space<hbm>>
    tpu.wait_indirect_dma semaphore(%arg17 : memref<!tpu.dma_semaphore, #tpu.memory_space<semaphore_mem>>) src(%dma_wait3A_221 : memref<520x256xf32, #tpu.memory_space<hbm>>) dst(%arg10 : memref<64x256xf32, #tpu.memory_space<vmem>>)
    %add3A_222 = arith.constant 576 : i32
    %add3A_223 = arith.addi %mul3A_2, %add3A_222 : i32
    %dma_start3A_224 = arith.constant 0 : i32
    %dma_start3A_225 = tpu.memref_slice %arg5[%add3A_223, %dma_start3A_224] : memref<32768x256xf32, #tpu.memory_space<hbm>> -> memref<64x256xf32, #tpu.memory_space<hbm>>
    %dma_start3A_226 = arith.constant 0 : i32
    %dma_start3A_227 = tpu.memref_slice %arg5[%add3A_223, %dma_start3A_226] : memref<32768x256xf32, #tpu.memory_space<hbm>> -> memref<64x256xf32, #tpu.memory_space<hbm>>
    tpu.enqueue_dma source(%arg10 : memref<64x256xf32, #tpu.memory_space<vmem>>) target(%dma_start3A_227 : memref<64x256xf32, #tpu.memory_space<hbm>>) target_semaphore(%arg24 : memref<!tpu.dma_semaphore, #tpu.memory_space<semaphore_mem>>)
    %add3A_228 = arith.constant 448 : i32
    %add3A_229 = arith.addi %mul3A_2, %add3A_228 : i32
    %dma_wait3A_230 = arith.constant 0 : i32
    %dma_wait3A_231 = tpu.memref_slice %arg5[%add3A_229, %dma_wait3A_230] : memref<32768x256xf32, #tpu.memory_space<hbm>> -> memref<64x256xf32, #tpu.memory_space<hbm>>
    %dma_wait3A_232 = arith.constant 0 : i32
    %dma_wait3A_233 = tpu.memref_slice %arg5[%add3A_229, %dma_wait3A_232] : memref<32768x256xf32, #tpu.memory_space<hbm>> -> memref<64x256xf32, #tpu.memory_space<hbm>>
    tpu.wait_dma2 semaphore(%arg22 : memref<!tpu.dma_semaphore, #tpu.memory_space<semaphore_mem>>) src(%arg8 : memref<64x256xf32, #tpu.memory_space<vmem>>) dst(%dma_wait3A_233 : memref<64x256xf32, #tpu.memory_space<hbm>>)
    %dma_start3A_234 = arith.constant 896 : i32
    %dma_start3A_235 = tpu.memref_slice %arg6[%dma_start3A_234] : memref<1024xi32, #tpu.memory_space<vmem>> -> memref<64xi32, #tpu.memory_space<vmem>>
    %dma_start3A_236 = arith.constant 0 : i32
    %dma_start3A_237 = arith.constant 0 : i32
    %dma_start3A_238 = tpu.memref_slice %arg2[%dma_start3A_236, %dma_start3A_237] : memref<520x256xf32, #tpu.memory_space<hbm>> -> memref<520x256xf32, #tpu.memory_space<hbm>>
    tpu.enqueue_indirect_dma source(%dma_start3A_238 : memref<520x256xf32, #tpu.memory_space<hbm>>) target(%arg8 : memref<64x256xf32, #tpu.memory_space<vmem>>) offsets(%dma_start3A_235 : memref<64xi32, #tpu.memory_space<vmem>>) semaphore(%arg15 : memref<!tpu.dma_semaphore, #tpu.memory_space<semaphore_mem>>)
    %dma_wait3A_239 = arith.constant 640 : i32
    %dma_wait3A_240 = tpu.memref_slice %arg6[%dma_wait3A_239] : memref<1024xi32, #tpu.memory_space<vmem>> -> memref<64xi32, #tpu.memory_space<vmem>>
    %dma_wait3A_241 = arith.constant 0 : i32
    %dma_wait3A_242 = arith.constant 0 : i32
    %dma_wait3A_243 = tpu.memref_slice %arg2[%dma_wait3A_241, %dma_wait3A_242] : memref<520x256xf32, #tpu.memory_space<hbm>> -> memref<520x256xf32, #tpu.memory_space<hbm>>
    tpu.wait_indirect_dma semaphore(%arg18 : memref<!tpu.dma_semaphore, #tpu.memory_space<semaphore_mem>>) src(%dma_wait3A_243 : memref<520x256xf32, #tpu.memory_space<hbm>>) dst(%arg11 : memref<64x256xf32, #tpu.memory_space<vmem>>)
    %add3A_244 = arith.constant 640 : i32
    %add3A_245 = arith.addi %mul3A_2, %add3A_244 : i32
    %dma_start3A_246 = arith.constant 0 : i32
    %dma_start3A_247 = tpu.memref_slice %arg5[%add3A_245, %dma_start3A_246] : memref<32768x256xf32, #tpu.memory_space<hbm>> -> memref<64x256xf32, #tpu.memory_space<hbm>>
    %dma_start3A_248 = arith.constant 0 : i32
    %dma_start3A_249 = tpu.memref_slice %arg5[%add3A_245, %dma_start3A_248] : memref<32768x256xf32, #tpu.memory_space<hbm>> -> memref<64x256xf32, #tpu.memory_space<hbm>>
    tpu.enqueue_dma source(%arg11 : memref<64x256xf32, #tpu.memory_space<vmem>>) target(%dma_start3A_249 : memref<64x256xf32, #tpu.memory_space<hbm>>) target_semaphore(%arg25 : memref<!tpu.dma_semaphore, #tpu.memory_space<semaphore_mem>>)
    %add3A_250 = arith.constant 512 : i32
    %add3A_251 = arith.addi %mul3A_2, %add3A_250 : i32
    %dma_wait3A_252 = arith.constant 0 : i32
    %dma_wait3A_253 = tpu.memref_slice %arg5[%add3A_251, %dma_wait3A_252] : memref<32768x256xf32, #tpu.memory_space<hbm>> -> memref<64x256xf32, #tpu.memory_space<hbm>>
    %dma_wait3A_254 = arith.constant 0 : i32
    %dma_wait3A_255 = tpu.memref_slice %arg5[%add3A_251, %dma_wait3A_254] : memref<32768x256xf32, #tpu.memory_space<hbm>> -> memref<64x256xf32, #tpu.memory_space<hbm>>
    tpu.wait_dma2 semaphore(%arg23 : memref<!tpu.dma_semaphore, #tpu.memory_space<semaphore_mem>>) src(%arg9 : memref<64x256xf32, #tpu.memory_space<vmem>>) dst(%dma_wait3A_255 : memref<64x256xf32, #tpu.memory_space<hbm>>)
    %dma_start3A_256 = arith.constant 960 : i32
    %dma_start3A_257 = tpu.memref_slice %arg6[%dma_start3A_256] : memref<1024xi32, #tpu.memory_space<vmem>> -> memref<64xi32, #tpu.memory_space<vmem>>
    %dma_start3A_258 = arith.constant 0 : i32
    %dma_start3A_259 = arith.constant 0 : i32
    %dma_start3A_260 = tpu.memref_slice %arg2[%dma_start3A_258, %dma_start3A_259] : memref<520x256xf32, #tpu.memory_space<hbm>> -> memref<520x256xf32, #tpu.memory_space<hbm>>
    tpu.enqueue_indirect_dma source(%dma_start3A_260 : memref<520x256xf32, #tpu.memory_space<hbm>>) target(%arg9 : memref<64x256xf32, #tpu.memory_space<vmem>>) offsets(%dma_start3A_257 : memref<64xi32, #tpu.memory_space<vmem>>) semaphore(%arg16 : memref<!tpu.dma_semaphore, #tpu.memory_space<semaphore_mem>>)
    %dma_wait3A_261 = arith.constant 704 : i32
    %dma_wait3A_262 = tpu.memref_slice %arg6[%dma_wait3A_261] : memref<1024xi32, #tpu.memory_space<vmem>> -> memref<64xi32, #tpu.memory_space<vmem>>
    %dma_wait3A_263 = arith.constant 0 : i32
    %dma_wait3A_264 = arith.constant 0 : i32
    %dma_wait3A_265 = tpu.memref_slice %arg2[%dma_wait3A_263, %dma_wait3A_264] : memref<520x256xf32, #tpu.memory_space<hbm>> -> memref<520x256xf32, #tpu.memory_space<hbm>>
    tpu.wait_indirect_dma semaphore(%arg19 : memref<!tpu.dma_semaphore, #tpu.memory_space<semaphore_mem>>) src(%dma_wait3A_265 : memref<520x256xf32, #tpu.memory_space<hbm>>) dst(%arg12 : memref<64x256xf32, #tpu.memory_space<vmem>>)
    %add3A_266 = arith.constant 704 : i32
    %add3A_267 = arith.addi %mul3A_2, %add3A_266 : i32
    %dma_start3A_268 = arith.constant 0 : i32
    %dma_start3A_269 = tpu.memref_slice %arg5[%add3A_267, %dma_start3A_268] : memref<32768x256xf32, #tpu.memory_space<hbm>> -> memref<64x256xf32, #tpu.memory_space<hbm>>
    %dma_start3A_270 = arith.constant 0 : i32
    %dma_start3A_271 = tpu.memref_slice %arg5[%add3A_267, %dma_start3A_270] : memref<32768x256xf32, #tpu.memory_space<hbm>> -> memref<64x256xf32, #tpu.memory_space<hbm>>
    tpu.enqueue_dma source(%arg12 : memref<64x256xf32, #tpu.memory_space<vmem>>) target(%dma_start3A_271 : memref<64x256xf32, #tpu.memory_space<hbm>>) target_semaphore(%arg26 : memref<!tpu.dma_semaphore, #tpu.memory_space<semaphore_mem>>)
    %dma_wait3A_272 = arith.constant 768 : i32
    %dma_wait3A_273 = tpu.memref_slice %arg6[%dma_wait3A_272] : memref<1024xi32, #tpu.memory_space<vmem>> -> memref<64xi32, #tpu.memory_space<vmem>>
    %dma_wait3A_274 = arith.constant 0 : i32
    %dma_wait3A_275 = arith.constant 0 : i32
    %dma_wait3A_276 = tpu.memref_slice %arg2[%dma_wait3A_274, %dma_wait3A_275] : memref<520x256xf32, #tpu.memory_space<hbm>> -> memref<520x256xf32, #tpu.memory_space<hbm>>
    tpu.wait_indirect_dma semaphore(%arg20 : memref<!tpu.dma_semaphore, #tpu.memory_space<semaphore_mem>>) src(%dma_wait3A_276 : memref<520x256xf32, #tpu.memory_space<hbm>>) dst(%arg13 : memref<64x256xf32, #tpu.memory_space<vmem>>)
    %add3A_277 = arith.constant 768 : i32
    %add3A_278 = arith.addi %mul3A_2, %add3A_277 : i32
    %dma_start3A_279 = arith.constant 0 : i32
    %dma_start3A_280 = tpu.memref_slice %arg5[%add3A_278, %dma_start3A_279] : memref<32768x256xf32, #tpu.memory_space<hbm>> -> memref<64x256xf32, #tpu.memory_space<hbm>>
    %dma_start3A_281 = arith.constant 0 : i32
    %dma_start3A_282 = tpu.memref_slice %arg5[%add3A_278, %dma_start3A_281] : memref<32768x256xf32, #tpu.memory_space<hbm>> -> memref<64x256xf32, #tpu.memory_space<hbm>>
    tpu.enqueue_dma source(%arg13 : memref<64x256xf32, #tpu.memory_space<vmem>>) target(%dma_start3A_282 : memref<64x256xf32, #tpu.memory_space<hbm>>) target_semaphore(%arg27 : memref<!tpu.dma_semaphore, #tpu.memory_space<semaphore_mem>>)
    %dma_wait3A_283 = arith.constant 832 : i32
    %dma_wait3A_284 = tpu.memref_slice %arg6[%dma_wait3A_283] : memref<1024xi32, #tpu.memory_space<vmem>> -> memref<64xi32, #tpu.memory_space<vmem>>
    %dma_wait3A_285 = arith.constant 0 : i32
    %dma_wait3A_286 = arith.constant 0 : i32
    %dma_wait3A_287 = tpu.memref_slice %arg2[%dma_wait3A_285, %dma_wait3A_286] : memref<520x256xf32, #tpu.memory_space<hbm>> -> memref<520x256xf32, #tpu.memory_space<hbm>>
    tpu.wait_indirect_dma semaphore(%arg21 : memref<!tpu.dma_semaphore, #tpu.memory_space<semaphore_mem>>) src(%dma_wait3A_287 : memref<520x256xf32, #tpu.memory_space<hbm>>) dst(%arg14 : memref<64x256xf32, #tpu.memory_space<vmem>>)
    %add3A_288 = arith.constant 832 : i32
    %add3A_289 = arith.addi %mul3A_2, %add3A_288 : i32
    %dma_start3A_290 = arith.constant 0 : i32
    %dma_start3A_291 = tpu.memref_slice %arg5[%add3A_289, %dma_start3A_290] : memref<32768x256xf32, #tpu.memory_space<hbm>> -> memref<64x256xf32, #tpu.memory_space<hbm>>
    %dma_start3A_292 = arith.constant 0 : i32
    %dma_start3A_293 = tpu.memref_slice %arg5[%add3A_289, %dma_start3A_292] : memref<32768x256xf32, #tpu.memory_space<hbm>> -> memref<64x256xf32, #tpu.memory_space<hbm>>
    tpu.enqueue_dma source(%arg14 : memref<64x256xf32, #tpu.memory_space<vmem>>) target(%dma_start3A_293 : memref<64x256xf32, #tpu.memory_space<hbm>>) target_semaphore(%arg28 : memref<!tpu.dma_semaphore, #tpu.memory_space<semaphore_mem>>)
    %dma_wait3A_294 = arith.constant 896 : i32
    %dma_wait3A_295 = tpu.memref_slice %arg6[%dma_wait3A_294] : memref<1024xi32, #tpu.memory_space<vmem>> -> memref<64xi32, #tpu.memory_space<vmem>>
    %dma_wait3A_296 = arith.constant 0 : i32
    %dma_wait3A_297 = arith.constant 0 : i32
    %dma_wait3A_298 = tpu.memref_slice %arg2[%dma_wait3A_296, %dma_wait3A_297] : memref<520x256xf32, #tpu.memory_space<hbm>> -> memref<520x256xf32, #tpu.memory_space<hbm>>
    tpu.wait_indirect_dma semaphore(%arg15 : memref<!tpu.dma_semaphore, #tpu.memory_space<semaphore_mem>>) src(%dma_wait3A_298 : memref<520x256xf32, #tpu.memory_space<hbm>>) dst(%arg8 : memref<64x256xf32, #tpu.memory_space<vmem>>)
    %add3A_299 = arith.constant 896 : i32
    %add3A_300 = arith.addi %mul3A_2, %add3A_299 : i32
    %dma_start3A_301 = arith.constant 0 : i32
    %dma_start3A_302 = tpu.memref_slice %arg5[%add3A_300, %dma_start3A_301] : memref<32768x256xf32, #tpu.memory_space<hbm>> -> memref<64x256xf32, #tpu.memory_space<hbm>>
    %dma_start3A_303 = arith.constant 0 : i32
    %dma_start3A_304 = tpu.memref_slice %arg5[%add3A_300, %dma_start3A_303] : memref<32768x256xf32, #tpu.memory_space<hbm>> -> memref<64x256xf32, #tpu.memory_space<hbm>>
    tpu.enqueue_dma source(%arg8 : memref<64x256xf32, #tpu.memory_space<vmem>>) target(%dma_start3A_304 : memref<64x256xf32, #tpu.memory_space<hbm>>) target_semaphore(%arg22 : memref<!tpu.dma_semaphore, #tpu.memory_space<semaphore_mem>>)
    %dma_wait3A_305 = arith.constant 960 : i32
    %dma_wait3A_306 = tpu.memref_slice %arg6[%dma_wait3A_305] : memref<1024xi32, #tpu.memory_space<vmem>> -> memref<64xi32, #tpu.memory_space<vmem>>
    %dma_wait3A_307 = arith.constant 0 : i32
    %dma_wait3A_308 = arith.constant 0 : i32
    %dma_wait3A_309 = tpu.memref_slice %arg2[%dma_wait3A_307, %dma_wait3A_308] : memref<520x256xf32, #tpu.memory_space<hbm>> -> memref<520x256xf32, #tpu.memory_space<hbm>>
    tpu.wait_indirect_dma semaphore(%arg16 : memref<!tpu.dma_semaphore, #tpu.memory_space<semaphore_mem>>) src(%dma_wait3A_309 : memref<520x256xf32, #tpu.memory_space<hbm>>) dst(%arg9 : memref<64x256xf32, #tpu.memory_space<vmem>>)
    %add3A_310 = arith.constant 960 : i32
    %add3A_311 = arith.addi %mul3A_2, %add3A_310 : i32
    %dma_start3A_312 = arith.constant 0 : i32
    %dma_start3A_313 = tpu.memref_slice %arg5[%add3A_311, %dma_start3A_312] : memref<32768x256xf32, #tpu.memory_space<hbm>> -> memref<64x256xf32, #tpu.memory_space<hbm>>
    %dma_start3A_314 = arith.constant 0 : i32
    %dma_start3A_315 = tpu.memref_slice %arg5[%add3A_311, %dma_start3A_314] : memref<32768x256xf32, #tpu.memory_space<hbm>> -> memref<64x256xf32, #tpu.memory_space<hbm>>
    tpu.enqueue_dma source(%arg9 : memref<64x256xf32, #tpu.memory_space<vmem>>) target(%dma_start3A_315 : memref<64x256xf32, #tpu.memory_space<hbm>>) target_semaphore(%arg23 : memref<!tpu.dma_semaphore, #tpu.memory_space<semaphore_mem>>)
    %add3A_316 = arith.constant 576 : i32
    %add3A_317 = arith.addi %mul3A_2, %add3A_316 : i32
    %dma_wait3A_318 = arith.constant 0 : i32
    %dma_wait3A_319 = tpu.memref_slice %arg5[%add3A_317, %dma_wait3A_318] : memref<32768x256xf32, #tpu.memory_space<hbm>> -> memref<64x256xf32, #tpu.memory_space<hbm>>
    %dma_wait3A_320 = arith.constant 0 : i32
    %dma_wait3A_321 = tpu.memref_slice %arg5[%add3A_317, %dma_wait3A_320] : memref<32768x256xf32, #tpu.memory_space<hbm>> -> memref<64x256xf32, #tpu.memory_space<hbm>>
    tpu.wait_dma2 semaphore(%arg24 : memref<!tpu.dma_semaphore, #tpu.memory_space<semaphore_mem>>) src(%arg10 : memref<64x256xf32, #tpu.memory_space<vmem>>) dst(%dma_wait3A_321 : memref<64x256xf32, #tpu.memory_space<hbm>>)
    %add3A_322 = arith.constant 640 : i32
    %add3A_323 = arith.addi %mul3A_2, %add3A_322 : i32
    %dma_wait3A_324 = arith.constant 0 : i32
    %dma_wait3A_325 = tpu.memref_slice %arg5[%add3A_323, %dma_wait3A_324] : memref<32768x256xf32, #tpu.memory_space<hbm>> -> memref<64x256xf32, #tpu.memory_space<hbm>>
    %dma_wait3A_326 = arith.constant 0 : i32
    %dma_wait3A_327 = tpu.memref_slice %arg5[%add3A_323, %dma_wait3A_326] : memref<32768x256xf32, #tpu.memory_space<hbm>> -> memref<64x256xf32, #tpu.memory_space<hbm>>
    tpu.wait_dma2 semaphore(%arg25 : memref<!tpu.dma_semaphore, #tpu.memory_space<semaphore_mem>>) src(%arg11 : memref<64x256xf32, #tpu.memory_space<vmem>>) dst(%dma_wait3A_327 : memref<64x256xf32, #tpu.memory_space<hbm>>)
    %add3A_328 = arith.constant 704 : i32
    %add3A_329 = arith.addi %mul3A_2, %add3A_328 : i32
    %dma_wait3A_330 = arith.constant 0 : i32
    %dma_wait3A_331 = tpu.memref_slice %arg5[%add3A_329, %dma_wait3A_330] : memref<32768x256xf32, #tpu.memory_space<hbm>> -> memref<64x256xf32, #tpu.memory_space<hbm>>
    %dma_wait3A_332 = arith.constant 0 : i32
    %dma_wait3A_333 = tpu.memref_slice %arg5[%add3A_329, %dma_wait3A_332] : memref<32768x256xf32, #tpu.memory_space<hbm>> -> memref<64x256xf32, #tpu.memory_space<hbm>>
    tpu.wait_dma2 semaphore(%arg26 : memref<!tpu.dma_semaphore, #tpu.memory_space<semaphore_mem>>) src(%arg12 : memref<64x256xf32, #tpu.memory_space<vmem>>) dst(%dma_wait3A_333 : memref<64x256xf32, #tpu.memory_space<hbm>>)
    %add3A_334 = arith.constant 768 : i32
    %add3A_335 = arith.addi %mul3A_2, %add3A_334 : i32
    %dma_wait3A_336 = arith.constant 0 : i32
    %dma_wait3A_337 = tpu.memref_slice %arg5[%add3A_335, %dma_wait3A_336] : memref<32768x256xf32, #tpu.memory_space<hbm>> -> memref<64x256xf32, #tpu.memory_space<hbm>>
    %dma_wait3A_338 = arith.constant 0 : i32
    %dma_wait3A_339 = tpu.memref_slice %arg5[%add3A_335, %dma_wait3A_338] : memref<32768x256xf32, #tpu.memory_space<hbm>> -> memref<64x256xf32, #tpu.memory_space<hbm>>
    tpu.wait_dma2 semaphore(%arg27 : memref<!tpu.dma_semaphore, #tpu.memory_space<semaphore_mem>>) src(%arg13 : memref<64x256xf32, #tpu.memory_space<vmem>>) dst(%dma_wait3A_339 : memref<64x256xf32, #tpu.memory_space<hbm>>)
    %add3A_340 = arith.constant 832 : i32
    %add3A_341 = arith.addi %mul3A_2, %add3A_340 : i32
    %dma_wait3A_342 = arith.constant 0 : i32
    %dma_wait3A_343 = tpu.memref_slice %arg5[%add3A_341, %dma_wait3A_342] : memref<32768x256xf32, #tpu.memory_space<hbm>> -> memref<64x256xf32, #tpu.memory_space<hbm>>
    %dma_wait3A_344 = arith.constant 0 : i32
    %dma_wait3A_345 = tpu.memref_slice %arg5[%add3A_341, %dma_wait3A_344] : memref<32768x256xf32, #tpu.memory_space<hbm>> -> memref<64x256xf32, #tpu.memory_space<hbm>>
    tpu.wait_dma2 semaphore(%arg28 : memref<!tpu.dma_semaphore, #tpu.memory_space<semaphore_mem>>) src(%arg14 : memref<64x256xf32, #tpu.memory_space<vmem>>) dst(%dma_wait3A_345 : memref<64x256xf32, #tpu.memory_space<hbm>>)
    %add3A_346 = arith.constant 896 : i32
    %add3A_347 = arith.addi %mul3A_2, %add3A_346 : i32
    %dma_wait3A_348 = arith.constant 0 : i32
    %dma_wait3A_349 = tpu.memref_slice %arg5[%add3A_347, %dma_wait3A_348] : memref<32768x256xf32, #tpu.memory_space<hbm>> -> memref<64x256xf32, #tpu.memory_space<hbm>>
    %dma_wait3A_350 = arith.constant 0 : i32
    %dma_wait3A_351 = tpu.memref_slice %arg5[%add3A_347, %dma_wait3A_350] : memref<32768x256xf32, #tpu.memory_space<hbm>> -> memref<64x256xf32, #tpu.memory_space<hbm>>
    tpu.wait_dma2 semaphore(%arg22 : memref<!tpu.dma_semaphore, #tpu.memory_space<semaphore_mem>>) src(%arg8 : memref<64x256xf32, #tpu.memory_space<vmem>>) dst(%dma_wait3A_351 : memref<64x256xf32, #tpu.memory_space<hbm>>)
    %add3A_352 = arith.constant 960 : i32
    %add3A_353 = arith.addi %mul3A_2, %add3A_352 : i32
    %dma_wait3A_354 = arith.constant 0 : i32
    %dma_wait3A_355 = tpu.memref_slice %arg5[%add3A_353, %dma_wait3A_354] : memref<32768x256xf32, #tpu.memory_space<hbm>> -> memref<64x256xf32, #tpu.memory_space<hbm>>
    %dma_wait3A_356 = arith.constant 0 : i32
    %dma_wait3A_357 = tpu.memref_slice %arg5[%add3A_353, %dma_wait3A_356] : memref<32768x256xf32, #tpu.memory_space<hbm>> -> memref<64x256xf32, #tpu.memory_space<hbm>>
    tpu.wait_dma2 semaphore(%arg23 : memref<!tpu.dma_semaphore, #tpu.memory_space<semaphore_mem>>) src(%arg9 : memref<64x256xf32, #tpu.memory_space<vmem>>) dst(%dma_wait3A_357 : memref<64x256xf32, #tpu.memory_space<hbm>>)
    return
  }
}

module attributes {stable_mosaic.version = 14 : i64} {
  func.func @_tables_body(%arg0: memref<64x1xf32, #tpu.memory_space<vmem>>, %arg1: memref<64x1xf32, #tpu.memory_space<vmem>>, %arg2: memref<64x1xf32, #tpu.memory_space<vmem>>, %arg3: memref<64x1xi32, #tpu.memory_space<vmem>>, %arg4: memref<21x256xf32, #tpu.memory_space<vmem>>, %arg5: memref<14x128xf32, #tpu.memory_space<vmem>>, %arg6: memref<1x128xf32, #tpu.memory_space<vmem>>, %arg7: memref<5x128xf32, #tpu.memory_space<vmem>>, %arg8: memref<128x256xf32, #tpu.memory_space<vmem>>, %arg9: memref<128x256xf32, #tpu.memory_space<vmem>>, %arg10: memref<128x256xf32, #tpu.memory_space<vmem>>, %arg11: memref<256x256xf32, #tpu.memory_space<vmem>>, %arg12: memref<128x256xf32, #tpu.memory_space<vmem>>, %arg13: memref<128x256xf32, #tpu.memory_space<vmem>>, %arg14: memref<128x256xf32, #tpu.memory_space<vmem>>, %arg15: memref<128x256xf32, #tpu.memory_space<vmem>>, %arg16: memref<1x256xf32, #tpu.memory_space<vmem>>, %arg17: memref<520x256xf32, #tpu.memory_space<vmem>>, %arg18: memref<128x256xf32, #tpu.memory_space<vmem>>, %arg19: memref<21x256xf32, #tpu.memory_space<vmem>>, %arg20: memref<14x256xf32, #tpu.memory_space<vmem>>, %arg21: memref<64x256xf32, #tpu.memory_space<vmem>>, %arg22: memref<64x256xf32, #tpu.memory_space<vmem>>, %arg23: memref<1x256xf32, #tpu.memory_space<vmem>>) attributes {dimension_semantics = [], scalar_prefetch = 0 : i64, scratch_operands = 0 : i64, tpu.core_type = #tpu.core_type<tc>} {
    %iota3A = tpu.iota {dimensions = array<i32: 0>} : vector<520x64xi32>
    %convert_element_type3A = arith.sitofp %iota3A : vector<520x64xi32> to vector<520x64xf32>
    %iota3A_0 = tpu.iota {dimensions = array<i32: 1>} : vector<520x64xi32>
    %convert_element_type3A_1 = arith.sitofp %iota3A_0 : vector<520x64xi32> to vector<520x64xf32>
    %mul3A = arith.constant -0.119195588 : f32
    %mul3A_2 = vector.broadcast %mul3A : f32 to vector<520x64xf32>
    %mul3A_3 = arith.mulf %convert_element_type3A_1, %mul3A_2 : vector<520x64xf32>
    %exp3A = math.exp %mul3A_3 : vector<520x64xf32>
    %mul3A_4 = arith.mulf %convert_element_type3A, %exp3A : vector<520x64xf32>
    %sin3A = math.sin %mul3A_4 : vector<520x64xf32>
    %cos3A = math.cos %mul3A_4 : vector<520x64xf32>
    %concatenate3A = tpu.concatenate %sin3A, %cos3A in 1 : vector<520x64xf32>, vector<520x64xf32> -> vector<520x128xf32>
    %iota3A_5 = tpu.iota {dimensions = array<i32: 0>} : vector<520x128xi32>
    %lt3A = arith.constant 512 : i32
    %lt3A_6 = vector.broadcast %lt3A : i32 to vector<520x128xi32>
    %lt3A_7 = arith.cmpi slt, %iota3A_5, %lt3A_6 : vector<520x128xi32>
    %convert_element_type3A_8 = arith.extui %lt3A_7 : vector<520x128xi1> to vector<520x128xi32>
    %convert_element_type3A_9 = arith.sitofp %convert_element_type3A_8 : vector<520x128xi32> to vector<520x128xf32>
    %mul3A_10 = arith.mulf %concatenate3A, %convert_element_type3A_9 : vector<520x128xf32>
    %get3A = arith.constant 0 : index
    %get3A_11 = arith.constant 0 : index
    %get3A_12 = vector.load %arg8[%get3A, %get3A_11] : memref<128x256xf32, #tpu.memory_space<vmem>>, vector<128x256xf32>
    %dot_general3A = arith.constant dense<0.000000e+00> : vector<520x256xf32>
    %dot_general3A_13 = tpu.matmul %mul3A_10, %get3A_12, %dot_general3A {dimension_numbers = #tpu.dot_dimension_numbers<[1], [0], [0], [1], [0, 0, 1, 1], [], []>, transpose_lhs_hint = false} : vector<520x128xf32>, vector<128x256xf32>, vector<520x256xf32> -> vector<520x256xf32>
    %swap3A = arith.constant 0 : index
    %swap3A_14 = arith.constant 0 : index
    %swap3A_15 = vector.load %arg17[%swap3A, %swap3A_14] : memref<520x256xf32, #tpu.memory_space<vmem>>, vector<520x256xf32>
    tpu.vector_store %arg17[%swap3A, %swap3A_14], %dot_general3A_13 {strides = array<i32>} : memref<520x256xf32, #tpu.memory_space<vmem>>, vector<520x256xf32>,
    %iota3A_16 = tpu.iota {dimensions = array<i32: 0>} : vector<128x64xi32>
    %convert_element_type3A_17 = arith.sitofp %iota3A_16 : vector<128x64xi32> to vector<128x64xf32>
    %iota3A_18 = tpu.iota {dimensions = array<i32: 1>} : vector<128x64xi32>
    %convert_element_type3A_19 = arith.sitofp %iota3A_18 : vector<128x64xi32> to vector<128x64xf32>
    %mul3A_20 = arith.constant -0.0719557852 : f32
    %mul3A_21 = vector.broadcast %mul3A_20 : f32 to vector<128x64xf32>
    %mul3A_22 = arith.mulf %convert_element_type3A_19, %mul3A_21 : vector<128x64xf32>
    %exp3A_23 = math.exp %mul3A_22 : vector<128x64xf32>
    %mul3A_24 = arith.mulf %convert_element_type3A_17, %exp3A_23 : vector<128x64xf32>
    %sin3A_25 = math.sin %mul3A_24 : vector<128x64xf32>
    %cos3A_26 = math.cos %mul3A_24 : vector<128x64xf32>
    %concatenate3A_27 = tpu.concatenate %sin3A_25, %cos3A_26 in 1 : vector<128x64xf32>, vector<128x64xf32> -> vector<128x128xf32>
    %get3A_28 = arith.constant 0 : index
    %get3A_29 = arith.constant 0 : index
    %get3A_30 = vector.load %arg13[%get3A_28, %get3A_29] : memref<128x256xf32, #tpu.memory_space<vmem>>, vector<128x256xf32>
    %dot_general3A_31 = arith.constant dense<0.000000e+00> : vector<128x256xf32>
    %dot_general3A_32 = tpu.matmul %concatenate3A_27, %get3A_30, %dot_general3A_31 {dimension_numbers = #tpu.dot_dimension_numbers<[1], [0], [0], [1], [0, 0, 1, 1], [], []>, transpose_lhs_hint = false} : vector<128x128xf32>, vector<128x256xf32>, vector<128x256xf32> -> vector<128x256xf32>
    %swap3A_33 = arith.constant 0 : index
    %swap3A_34 = arith.constant 0 : index
    %swap3A_35 = vector.load %arg18[%swap3A_33, %swap3A_34] : memref<128x256xf32, #tpu.memory_space<vmem>>, vector<128x256xf32>
    tpu.vector_store %arg18[%swap3A_33, %swap3A_34], %dot_general3A_32 {strides = array<i32>} : memref<128x256xf32, #tpu.memory_space<vmem>>, vector<128x256xf32>,
    %get3A_36 = arith.constant 0 : index
    %get3A_37 = arith.constant 0 : index
    %get3A_38 = vector.load %arg4[%get3A_36, %get3A_37] : memref<21x256xf32, #tpu.memory_space<vmem>>, vector<21x256xf32>
    %get3A_39 = arith.constant 0 : index
    %get3A_40 = arith.constant 0 : index
    %get3A_41 = vector.load %arg11[%get3A_39, %get3A_40] : memref<256x256xf32, #tpu.memory_space<vmem>>, vector<256x256xf32>
    %dot_general3A_42 = arith.constant dense<0.000000e+00> : vector<21x256xf32>
    %dot_general3A_43 = tpu.matmul %get3A_38, %get3A_41, %dot_general3A_42 {dimension_numbers = #tpu.dot_dimension_numbers<[1], [0], [0], [1], [0, 0, 1, 1], [], []>, transpose_lhs_hint = false} : vector<21x256xf32>, vector<256x256xf32>, vector<21x256xf32> -> vector<21x256xf32>
    %swap3A_44 = arith.constant 0 : index
    %swap3A_45 = arith.constant 0 : index
    %swap3A_46 = vector.load %arg19[%swap3A_44, %swap3A_45] : memref<21x256xf32, #tpu.memory_space<vmem>>, vector<21x256xf32>
    tpu.vector_store %arg19[%swap3A_44, %swap3A_45], %dot_general3A_43 {strides = array<i32>} : memref<21x256xf32, #tpu.memory_space<vmem>>, vector<21x256xf32>,
    %get3A_47 = arith.constant 0 : index
    %get3A_48 = arith.constant 0 : index
    %get3A_49 = vector.load %arg5[%get3A_47, %get3A_48] : memref<14x128xf32, #tpu.memory_space<vmem>>, vector<14x128xf32>
    %get3A_50 = arith.constant 0 : index
    %get3A_51 = arith.constant 0 : index
    %get3A_52 = vector.load %arg14[%get3A_50, %get3A_51] : memref<128x256xf32, #tpu.memory_space<vmem>>, vector<128x256xf32>
    %dot_general3A_53 = arith.constant dense<0.000000e+00> : vector<14x256xf32>
    %dot_general3A_54 = tpu.matmul %get3A_49, %get3A_52, %dot_general3A_53 {dimension_numbers = #tpu.dot_dimension_numbers<[1], [0], [0], [1], [0, 0, 1, 1], [], []>, transpose_lhs_hint = false} : vector<14x128xf32>, vector<128x256xf32>, vector<14x256xf32> -> vector<14x256xf32>
    %swap3A_55 = arith.constant 0 : index
    %swap3A_56 = arith.constant 0 : index
    %swap3A_57 = vector.load %arg20[%swap3A_55, %swap3A_56] : memref<14x256xf32, #tpu.memory_space<vmem>>, vector<14x256xf32>
    tpu.vector_store %arg20[%swap3A_55, %swap3A_56], %dot_general3A_54 {strides = array<i32>} : memref<14x256xf32, #tpu.memory_space<vmem>>, vector<14x256xf32>,
    %get3A_58 = arith.constant 0 : index
    %get3A_59 = arith.constant 0 : index
    %get3A_60 = vector.load %arg16[%get3A_58, %get3A_59] : memref<1x256xf32, #tpu.memory_space<vmem>>, vector<1x256xf32>
    %get3A_61 = arith.constant 0 : index
    %get3A_62 = arith.constant 0 : index
    %get3A_63 = vector.load %arg6[%get3A_61, %get3A_62] : memref<1x128xf32, #tpu.memory_space<vmem>>, vector<1x128xf32>
    %get3A_64 = arith.constant 0 : index
    %get3A_65 = arith.constant 0 : index
    %get3A_66 = vector.load %arg14[%get3A_64, %get3A_65] : memref<128x256xf32, #tpu.memory_space<vmem>>, vector<128x256xf32>
    %dot_general3A_67 = arith.constant dense<0.000000e+00> : vector<1x256xf32>
    %dot_general3A_68 = tpu.matmul %get3A_63, %get3A_66, %dot_general3A_67 {dimension_numbers = #tpu.dot_dimension_numbers<[1], [0], [0], [1], [0, 0, 1, 1], [], []>, transpose_lhs_hint = false} : vector<1x128xf32>, vector<128x256xf32>, vector<1x256xf32> -> vector<1x256xf32>
    %add3A = arith.addf %get3A_60, %dot_general3A_68 : vector<1x256xf32>
    %swap3A_69 = arith.constant 0 : index
    %swap3A_70 = arith.constant 0 : index
    %swap3A_71 = vector.load %arg23[%swap3A_69, %swap3A_70] : memref<1x256xf32, #tpu.memory_space<vmem>>, vector<1x256xf32>
    tpu.vector_store %arg23[%swap3A_69, %swap3A_70], %add3A {strides = array<i32>} : memref<1x256xf32, #tpu.memory_space<vmem>>, vector<1x256xf32>,
    %get3A_72 = arith.constant 0 : index
    %get3A_73 = arith.constant 0 : index
    %get3A_74 = vector.load %arg0[%get3A_72, %get3A_73] : memref<64x1xf32, #tpu.memory_space<vmem>>, vector<64x1xf32>
    %mul3A_75 = arith.constant 2.056000e+03 : f32
    %mul3A_76 = vector.broadcast %mul3A_75 : f32 to vector<64x1xf32>
    %mul3A_77 = arith.mulf %get3A_74, %mul3A_76 : vector<64x1xf32>
    %iota3A_78 = tpu.iota {dimensions = array<i32: 1>} : vector<64x64xi32>
    %convert_element_type3A_79 = arith.sitofp %iota3A_78 : vector<64x64xi32> to vector<64x64xf32>
    %mul3A_80 = arith.constant -0.121087581 : f32
    %mul3A_81 = vector.broadcast %mul3A_80 : f32 to vector<64x64xf32>
    %mul3A_82 = arith.mulf %convert_element_type3A_79, %mul3A_81 : vector<64x64xf32>
    %exp3A_83 = math.exp %mul3A_82 : vector<64x64xf32>
    %mul3A_84 = vector.broadcast %mul3A_77 : vector<64x1xf32> to vector<64x64xf32>
    %mul3A_85 = arith.mulf %mul3A_84, %exp3A_83 : vector<64x64xf32>
    %sin3A_86 = math.sin %mul3A_85 : vector<64x64xf32>
    %cos3A_87 = math.cos %mul3A_85 : vector<64x64xf32>
    %concatenate3A_88 = tpu.concatenate %sin3A_86, %cos3A_87 in 1 : vector<64x64xf32>, vector<64x64xf32> -> vector<64x128xf32>
    %get3A_89 = arith.constant 0 : index
    %get3A_90 = arith.constant 0 : index
    %get3A_91 = vector.load %arg9[%get3A_89, %get3A_90] : memref<128x256xf32, #tpu.memory_space<vmem>>, vector<128x256xf32>
    %dot_general3A_92 = arith.constant dense<0.000000e+00> : vector<64x256xf32>
    %dot_general3A_93 = tpu.matmul %concatenate3A_88, %get3A_91, %dot_general3A_92 {dimension_numbers = #tpu.dot_dimension_numbers<[1], [0], [0], [1], [0, 0, 1, 1], [], []>, transpose_lhs_hint = false} : vector<64x128xf32>, vector<128x256xf32>, vector<64x256xf32> -> vector<64x256xf32>
    %get3A_94 = arith.constant 0 : index
    %get3A_95 = arith.constant 0 : index
    %get3A_96 = vector.load %arg1[%get3A_94, %get3A_95] : memref<64x1xf32, #tpu.memory_space<vmem>>, vector<64x1xf32>
    %mul3A_97 = arith.constant 2.056000e+03 : f32
    %mul3A_98 = vector.broadcast %mul3A_97 : f32 to vector<64x1xf32>
    %mul3A_99 = arith.mulf %get3A_96, %mul3A_98 : vector<64x1xf32>
    %iota3A_100 = tpu.iota {dimensions = array<i32: 1>} : vector<64x64xi32>
    %convert_element_type3A_101 = arith.sitofp %iota3A_100 : vector<64x64xi32> to vector<64x64xf32>
    %mul3A_102 = arith.constant -0.121087581 : f32
    %mul3A_103 = vector.broadcast %mul3A_102 : f32 to vector<64x64xf32>
    %mul3A_104 = arith.mulf %convert_element_type3A_101, %mul3A_103 : vector<64x64xf32>
    %exp3A_105 = math.exp %mul3A_104 : vector<64x64xf32>
    %mul3A_106 = vector.broadcast %mul3A_99 : vector<64x1xf32> to vector<64x64xf32>
    %mul3A_107 = arith.mulf %mul3A_106, %exp3A_105 : vector<64x64xf32>
    %sin3A_108 = math.sin %mul3A_107 : vector<64x64xf32>
    %cos3A_109 = math.cos %mul3A_107 : vector<64x64xf32>
    %concatenate3A_110 = tpu.concatenate %sin3A_108, %cos3A_109 in 1 : vector<64x64xf32>, vector<64x64xf32> -> vector<64x128xf32>
    %get3A_111 = arith.constant 0 : index
    %get3A_112 = arith.constant 0 : index
    %get3A_113 = vector.load %arg10[%get3A_111, %get3A_112] : memref<128x256xf32, #tpu.memory_space<vmem>>, vector<128x256xf32>
    %dot_general3A_114 = arith.constant dense<0.000000e+00> : vector<64x256xf32>
    %dot_general3A_115 = tpu.matmul %concatenate3A_110, %get3A_113, %dot_general3A_114 {dimension_numbers = #tpu.dot_dimension_numbers<[1], [0], [0], [1], [0, 0, 1, 1], [], []>, transpose_lhs_hint = false} : vector<64x128xf32>, vector<128x256xf32>, vector<64x256xf32> -> vector<64x256xf32>
    %add3A_116 = arith.addf %dot_general3A_93, %dot_general3A_115 : vector<64x256xf32>
    %get3A_117 = arith.constant 0 : index
    %get3A_118 = arith.constant 0 : index
    %get3A_119 = vector.load %arg2[%get3A_117, %get3A_118] : memref<64x1xf32, #tpu.memory_space<vmem>>, vector<64x1xf32>
    %mul3A_120 = arith.constant 2.056000e+03 : f32
    %mul3A_121 = vector.broadcast %mul3A_120 : f32 to vector<64x1xf32>
    %mul3A_122 = arith.mulf %get3A_119, %mul3A_121 : vector<64x1xf32>
    %iota3A_123 = tpu.iota {dimensions = array<i32: 1>} : vector<64x64xi32>
    %convert_element_type3A_124 = arith.sitofp %iota3A_123 : vector<64x64xi32> to vector<64x64xf32>
    %mul3A_125 = arith.constant -0.121087581 : f32
    %mul3A_126 = vector.broadcast %mul3A_125 : f32 to vector<64x64xf32>
    %mul3A_127 = arith.mulf %convert_element_type3A_124, %mul3A_126 : vector<64x64xf32>
    %exp3A_128 = math.exp %mul3A_127 : vector<64x64xf32>
    %mul3A_129 = vector.broadcast %mul3A_122 : vector<64x1xf32> to vector<64x64xf32>
    %mul3A_130 = arith.mulf %mul3A_129, %exp3A_128 : vector<64x64xf32>
    %sin3A_131 = math.sin %mul3A_130 : vector<64x64xf32>
    %cos3A_132 = math.cos %mul3A_130 : vector<64x64xf32>
    %concatenate3A_133 = tpu.concatenate %sin3A_131, %cos3A_132 in 1 : vector<64x64xf32>, vector<64x64xf32> -> vector<64x128xf32>
    %get3A_134 = arith.constant 0 : index
    %get3A_135 = arith.constant 0 : index
    %get3A_136 = vector.load %arg12[%get3A_134, %get3A_135] : memref<128x256xf32, #tpu.memory_space<vmem>>, vector<128x256xf32>
    %dot_general3A_137 = arith.constant dense<0.000000e+00> : vector<64x256xf32>
    %dot_general3A_138 = tpu.matmul %concatenate3A_133, %get3A_136, %dot_general3A_137 {dimension_numbers = #tpu.dot_dimension_numbers<[1], [0], [0], [1], [0, 0, 1, 1], [], []>, transpose_lhs_hint = false} : vector<64x128xf32>, vector<128x256xf32>, vector<64x256xf32> -> vector<64x256xf32>
    %add3A_139 = arith.addf %add3A_116, %dot_general3A_138 : vector<64x256xf32>
    %swap3A_140 = arith.constant 0 : index
    %swap3A_141 = arith.constant 0 : index
    %swap3A_142 = vector.load %arg21[%swap3A_140, %swap3A_141] : memref<64x256xf32, #tpu.memory_space<vmem>>, vector<64x256xf32>
    tpu.vector_store %arg21[%swap3A_140, %swap3A_141], %add3A_139 {strides = array<i32>} : memref<64x256xf32, #tpu.memory_space<vmem>>, vector<64x256xf32>,
    %get3A_143 = arith.constant 0 : index
    %get3A_144 = arith.constant 0 : index
    %get3A_145 = vector.load %arg7[%get3A_143, %get3A_144] : memref<5x128xf32, #tpu.memory_space<vmem>>, vector<5x128xf32>
    %get3A_146 = arith.constant 0 : index
    %get3A_147 = arith.constant 0 : index
    %get3A_148 = vector.load %arg15[%get3A_146, %get3A_147] : memref<128x256xf32, #tpu.memory_space<vmem>>, vector<128x256xf32>
    %dot_general3A_149 = arith.constant dense<0.000000e+00> : vector<5x256xf32>
    %dot_general3A_150 = tpu.matmul %get3A_145, %get3A_148, %dot_general3A_149 {dimension_numbers = #tpu.dot_dimension_numbers<[1], [0], [0], [1], [0, 0, 1, 1], [], []>, transpose_lhs_hint = false} : vector<5x128xf32>, vector<128x256xf32>, vector<5x256xf32> -> vector<5x256xf32>
    %iota3A_151 = tpu.iota {dimensions = array<i32: 1>} : vector<64x5xi32>
    %get3A_152 = arith.constant 0 : index
    %get3A_153 = arith.constant 0 : index
    %get3A_154 = vector.load %arg3[%get3A_152, %get3A_153] : memref<64x1xi32, #tpu.memory_space<vmem>>, vector<64x1xi32>
    %eq3A = vector.broadcast %get3A_154 : vector<64x1xi32> to vector<64x5xi32>
    %eq3A_155 = arith.cmpi eq, %eq3A, %iota3A_151 : vector<64x5xi32>
    %convert_element_type3A_156 = arith.extui %eq3A_155 : vector<64x5xi1> to vector<64x5xi32>
    %convert_element_type3A_157 = arith.sitofp %convert_element_type3A_156 : vector<64x5xi32> to vector<64x5xf32>
    %dot_general3A_158 = arith.constant dense<0.000000e+00> : vector<64x256xf32>
    %dot_general3A_159 = tpu.matmul %convert_element_type3A_157, %dot_general3A_150, %dot_general3A_158 {dimension_numbers = #tpu.dot_dimension_numbers<[1], [0], [0], [1], [0, 0, 1, 1], [], []>, transpose_lhs_hint = false} : vector<64x5xf32>, vector<5x256xf32>, vector<64x256xf32> -> vector<64x256xf32>
    %swap3A_160 = arith.constant 0 : index
    %swap3A_161 = arith.constant 0 : index
    %swap3A_162 = vector.load %arg22[%swap3A_160, %swap3A_161] : memref<64x256xf32, #tpu.memory_space<vmem>>, vector<64x256xf32>
    tpu.vector_store %arg22[%swap3A_160, %swap3A_161], %dot_general3A_159 {strides = array<i32>} : memref<64x256xf32, #tpu.memory_space<vmem>>, vector<64x256xf32>,
    return
  }
}

module attributes {stable_mosaic.version = 14 : i64} {
  func.func @_combine_body(%arg0: i32, %arg1: memref<8x512x256xf32, #tpu.memory_space<vmem>>, %arg2: memref<8x512x21xf32, #tpu.memory_space<vmem>>, %arg3: memref<8x512x14xf32, #tpu.memory_space<vmem>>, %arg4: memref<8x512xf32, #tpu.memory_space<vmem>>, %arg5: memref<8x512xf32, #tpu.memory_space<vmem>>, %arg6: memref<8x512xf32, #tpu.memory_space<vmem>>, %arg7: memref<8x512xf32, #tpu.memory_space<vmem>>, %arg8: memref<8x512xf32, #tpu.memory_space<vmem>>, %arg9: memref<8x1x256xf32, #tpu.memory_space<vmem>>, %arg10: memref<8x1x256xf32, #tpu.memory_space<vmem>>, %arg11: memref<1x256xf32, #tpu.memory_space<vmem>>, %arg12: memref<21x256xf32, #tpu.memory_space<vmem>>, %arg13: memref<14x256xf32, #tpu.memory_space<vmem>>, %arg14: memref<121x256xf32, #tpu.memory_space<vmem>>, %arg15: memref<1x256xf32, #tpu.memory_space<vmem>>, %arg16: memref<1x256xf32, #tpu.memory_space<vmem>>, %arg17: memref<8x512x256xf32, #tpu.memory_space<vmem>>) attributes {dimension_semantics = [#tpu.dimension_semantics<arbitrary>], iteration_bounds = array<i64: 8>, scalar_prefetch = 0 : i64, scratch_operands = 0 : i64, tpu.core_type = #tpu.core_type<tc>, window_params = [{transform_indices = @transform_0, window_bounds = array<i64: 8, 512, 256>}, {transform_indices = @transform_1, window_bounds = array<i64: 8, 512, 21>}, {transform_indices = @transform_2, window_bounds = array<i64: 8, 512, 14>}, {transform_indices = @transform_3, window_bounds = array<i64: 8, 512>}, {transform_indices = @transform_4, window_bounds = array<i64: 8, 512>}, {transform_indices = @transform_5, window_bounds = array<i64: 8, 512>}, {transform_indices = @transform_6, window_bounds = array<i64: 8, 512>}, {transform_indices = @transform_7, window_bounds = array<i64: 8, 512>}, {transform_indices = @transform_8, window_bounds = array<i64: 8, 1, 256>}, {transform_indices = @transform_9, window_bounds = array<i64: 8, 1, 256>}, {pipeline_mode = #tpu.pipeline_mode<synchronous>, transform_indices = @transform_10, window_bounds = array<i64: 1, 256>}, {pipeline_mode = #tpu.pipeline_mode<synchronous>, transform_indices = @transform_11, window_bounds = array<i64: 21, 256>}, {pipeline_mode = #tpu.pipeline_mode<synchronous>, transform_indices = @transform_12, window_bounds = array<i64: 14, 256>}, {pipeline_mode = #tpu.pipeline_mode<synchronous>, transform_indices = @transform_13, window_bounds = array<i64: 121, 256>}, {pipeline_mode = #tpu.pipeline_mode<synchronous>, transform_indices = @transform_14, window_bounds = array<i64: 1, 256>}, {pipeline_mode = #tpu.pipeline_mode<synchronous>, transform_indices = @transform_15, window_bounds = array<i64: 1, 256>}, {transform_indices = @transform_16, window_bounds = array<i64: 8, 512, 256>}]} {
    %get3A = arith.constant 0 : index
    %get3A_0 = arith.constant 0 : index
    %get3A_1 = arith.constant 0 : index
    %get3A_2 = vector.load %arg2[%get3A, %get3A_0, %get3A_1] : memref<8x512x21xf32, #tpu.memory_space<vmem>>, vector<8x512x21xf32>
    %reshape3A = vector.shape_cast %get3A_2 : vector<8x512x21xf32> to vector<4096x21xf32>
    %get3A_3 = arith.constant 0 : index
    %get3A_4 = arith.constant 0 : index
    %get3A_5 = vector.load %arg12[%get3A_3, %get3A_4] : memref<21x256xf32, #tpu.memory_space<vmem>>, vector<21x256xf32>
    %dot_general3A = arith.constant dense<0.000000e+00> : vector<4096x256xf32>
    %dot_general3A_6 = tpu.matmul %reshape3A, %get3A_5, %dot_general3A {dimension_numbers = #tpu.dot_dimension_numbers<[1], [0], [0], [1], [0, 0, 1, 1], [], []>, transpose_lhs_hint = false} : vector<4096x21xf32>, vector<21x256xf32>, vector<4096x256xf32> -> vector<4096x256xf32>
    %get3A_7 = arith.constant 0 : index
    %get3A_8 = arith.constant 0 : index
    %get3A_9 = arith.constant 0 : index
    %get3A_10 = vector.load %arg3[%get3A_7, %get3A_8, %get3A_9] : memref<8x512x14xf32, #tpu.memory_space<vmem>>, vector<8x512x14xf32>
    %reshape3A_11 = vector.shape_cast %get3A_10 : vector<8x512x14xf32> to vector<4096x14xf32>
    %get3A_12 = arith.constant 0 : index
    %get3A_13 = arith.constant 0 : index
    %get3A_14 = vector.load %arg13[%get3A_12, %get3A_13] : memref<14x256xf32, #tpu.memory_space<vmem>>, vector<14x256xf32>
    %dot_general3A_15 = arith.constant dense<0.000000e+00> : vector<4096x256xf32>
    %dot_general3A_16 = tpu.matmul %reshape3A_11, %get3A_14, %dot_general3A_15 {dimension_numbers = #tpu.dot_dimension_numbers<[1], [0], [0], [1], [0, 0, 1, 1], [], []>, transpose_lhs_hint = false} : vector<4096x14xf32>, vector<14x256xf32>, vector<4096x256xf32> -> vector<4096x256xf32>
    %add3A = arith.addf %dot_general3A_6, %dot_general3A_16 : vector<4096x256xf32>
    %iota3A = tpu.iota {dimensions = array<i32: 2>} : vector<8x512x121xi32>
    %convert_element_type3A = arith.sitofp %iota3A : vector<8x512x121xi32> to vector<8x512x121xf32>
    %get3A_17 = arith.constant 0 : index
    %get3A_18 = arith.constant 0 : index
    %get3A_19 = vector.load %arg4[%get3A_17, %get3A_18] : memref<8x512xf32, #tpu.memory_space<vmem>>, vector<8x512xf32>
    %broadcast_in_dim3A = vector.shape_cast %get3A_19 : vector<8x512xf32> to vector<8x512x1xf32>
    %get3A_20 = arith.constant 0 : index
    %get3A_21 = arith.constant 0 : index
    %get3A_22 = vector.load %arg5[%get3A_20, %get3A_21] : memref<8x512xf32, #tpu.memory_space<vmem>>, vector<8x512xf32>
    %broadcast_in_dim3A_23 = vector.shape_cast %get3A_22 : vector<8x512xf32> to vector<8x512x1xf32>
    %eq3A = vector.broadcast %broadcast_in_dim3A : vector<8x512x1xf32> to vector<8x512x121xf32>
    %eq3A_24 = arith.cmpf oeq, %eq3A, %convert_element_type3A : vector<8x512x121xf32>
    %convert_element_type3A_25 = arith.extui %eq3A_24 : vector<8x512x121xi1> to vector<8x512x121xi32>
    %convert_element_type3A_26 = arith.sitofp %convert_element_type3A_25 : vector<8x512x121xi32> to vector<8x512x121xf32>
    %add3A_27 = arith.constant 2.100000e+01 : f32
    %add3A_28 = vector.broadcast %add3A_27 : f32 to vector<8x512x1xf32>
    %add3A_29 = arith.addf %broadcast_in_dim3A_23, %add3A_28 : vector<8x512x1xf32>
    %eq3A_30 = vector.broadcast %add3A_29 : vector<8x512x1xf32> to vector<8x512x121xf32>
    %eq3A_31 = arith.cmpf oeq, %eq3A_30, %convert_element_type3A : vector<8x512x121xf32>
    %convert_element_type3A_32 = arith.extui %eq3A_31 : vector<8x512x121xi1> to vector<8x512x121xi32>
    %convert_element_type3A_33 = arith.sitofp %convert_element_type3A_32 : vector<8x512x121xi32> to vector<8x512x121xf32>
    %add3A_34 = arith.addf %convert_element_type3A_26, %convert_element_type3A_33 : vector<8x512x121xf32>
    %reshape3A_35 = vector.shape_cast %add3A_34 : vector<8x512x121xf32> to vector<4096x121xf32>
    %get3A_36 = arith.constant 0 : index
    %get3A_37 = arith.constant 0 : index
    %get3A_38 = vector.load %arg14[%get3A_36, %get3A_37] : memref<121x256xf32, #tpu.memory_space<vmem>>, vector<121x256xf32>
    %dot_general3A_39 = arith.constant dense<0.000000e+00> : vector<4096x256xf32>
    %dot_general3A_40 = tpu.matmul %reshape3A_35, %get3A_38, %dot_general3A_39 {dimension_numbers = #tpu.dot_dimension_numbers<[1], [0], [0], [1], [0, 0, 1, 1], [], []>, transpose_lhs_hint = false} : vector<4096x121xf32>, vector<121x256xf32>, vector<4096x256xf32> -> vector<4096x256xf32>
    %add3A_41 = arith.addf %add3A, %dot_general3A_40 : vector<4096x256xf32>
    %reshape3A_42 = vector.shape_cast %add3A_41 : vector<4096x256xf32> to vector<8x512x256xf32>
    %get3A_43 = arith.constant 0 : index
    %get3A_44 = arith.constant 0 : index
    %get3A_45 = vector.load %arg6[%get3A_43, %get3A_44] : memref<8x512xf32, #tpu.memory_space<vmem>>, vector<8x512xf32>
    %broadcast_in_dim3A_46 = vector.shape_cast %get3A_45 : vector<8x512xf32> to vector<8x512x1xf32>
    %get3A_47 = arith.constant 0 : index
    %get3A_48 = arith.constant 0 : index
    %get3A_49 = vector.load %arg15[%get3A_47, %get3A_48] : memref<1x256xf32, #tpu.memory_space<vmem>>, vector<1x256xf32>
    %broadcast_in_dim3A_50 = vector.shape_cast %get3A_49 : vector<1x256xf32> to vector<1x1x256xf32>
    %mul3A = vector.broadcast %broadcast_in_dim3A_46 : vector<8x512x1xf32> to vector<8x512x256xf32>
    %mul3A_51 = vector.broadcast %broadcast_in_dim3A_50 : vector<1x1x256xf32> to vector<8x512x256xf32>
    %mul3A_52 = arith.mulf %mul3A, %mul3A_51 : vector<8x512x256xf32>
    %add3A_53 = arith.addf %reshape3A_42, %mul3A_52 : vector<8x512x256xf32>
    %get3A_54 = arith.constant 0 : index
    %get3A_55 = arith.constant 0 : index
    %get3A_56 = vector.load %arg7[%get3A_54, %get3A_55] : memref<8x512xf32, #tpu.memory_space<vmem>>, vector<8x512xf32>
    %broadcast_in_dim3A_57 = vector.shape_cast %get3A_56 : vector<8x512xf32> to vector<8x512x1xf32>
    %get3A_58 = arith.constant 0 : index
    %get3A_59 = arith.constant 0 : index
    %get3A_60 = vector.load %arg16[%get3A_58, %get3A_59] : memref<1x256xf32, #tpu.memory_space<vmem>>, vector<1x256xf32>
    %broadcast_in_dim3A_61 = vector.shape_cast %get3A_60 : vector<1x256xf32> to vector<1x1x256xf32>
    %mul3A_62 = vector.broadcast %broadcast_in_dim3A_57 : vector<8x512x1xf32> to vector<8x512x256xf32>
    %mul3A_63 = vector.broadcast %broadcast_in_dim3A_61 : vector<1x1x256xf32> to vector<8x512x256xf32>
    %mul3A_64 = arith.mulf %mul3A_62, %mul3A_63 : vector<8x512x256xf32>
    %add3A_65 = arith.addf %add3A_53, %mul3A_64 : vector<8x512x256xf32>
    %get3A_66 = arith.constant 0 : index
    %get3A_67 = arith.constant 0 : index
    %get3A_68 = vector.load %arg8[%get3A_66, %get3A_67] : memref<8x512xf32, #tpu.memory_space<vmem>>, vector<8x512xf32>
    %broadcast_in_dim3A_69 = vector.shape_cast %get3A_68 : vector<8x512xf32> to vector<8x512x1xf32>
    %get3A_70 = arith.constant 0 : index
    %get3A_71 = arith.constant 0 : index
    %get3A_72 = arith.constant 0 : index
    %get3A_73 = vector.load %arg9[%get3A_70, %get3A_71, %get3A_72] : memref<8x1x256xf32, #tpu.memory_space<vmem>>, vector<8x1x256xf32>
    %mul3A_74 = vector.broadcast %broadcast_in_dim3A_69 : vector<8x512x1xf32> to vector<8x512x256xf32>
    %mul3A_75 = vector.broadcast %get3A_73 : vector<8x1x256xf32> to vector<8x512x256xf32>
    %mul3A_76 = arith.mulf %mul3A_74, %mul3A_75 : vector<8x512x256xf32>
    %add3A_77 = arith.addf %add3A_65, %mul3A_76 : vector<8x512x256xf32>
    %get3A_78 = arith.constant 0 : index
    %get3A_79 = arith.constant 0 : index
    %get3A_80 = arith.constant 0 : index
    %get3A_81 = vector.load %arg10[%get3A_78, %get3A_79, %get3A_80] : memref<8x1x256xf32, #tpu.memory_space<vmem>>, vector<8x1x256xf32>
    %get3A_82 = arith.constant 0 : index
    %get3A_83 = arith.constant 0 : index
    %get3A_84 = vector.load %arg11[%get3A_82, %get3A_83] : memref<1x256xf32, #tpu.memory_space<vmem>>, vector<1x256xf32>
    %broadcast_in_dim3A_85 = vector.shape_cast %get3A_84 : vector<1x256xf32> to vector<1x1x256xf32>
    %add3A_86 = vector.broadcast %broadcast_in_dim3A_85 : vector<1x1x256xf32> to vector<8x1x256xf32>
    %add3A_87 = arith.addf %get3A_81, %add3A_86 : vector<8x1x256xf32>
    %add3A_88 = vector.broadcast %add3A_87 : vector<8x1x256xf32> to vector<8x512x256xf32>
    %add3A_89 = arith.addf %add3A_77, %add3A_88 : vector<8x512x256xf32>
    %get3A_90 = arith.constant 0 : index
    %get3A_91 = arith.constant 0 : index
    %get3A_92 = arith.constant 0 : index
    %get3A_93 = vector.load %arg1[%get3A_90, %get3A_91, %get3A_92] : memref<8x512x256xf32, #tpu.memory_space<vmem>>, vector<8x512x256xf32>
    %add3A_94 = arith.addf %add3A_89, %get3A_93 : vector<8x512x256xf32>
    %swap3A = arith.constant 0 : index
    %swap3A_95 = arith.constant 0 : index
    %swap3A_96 = arith.constant 0 : index
    %swap3A_97 = vector.load %arg17[%swap3A, %swap3A_95, %swap3A_96] : memref<8x512x256xf32, #tpu.memory_space<vmem>>, vector<8x512x256xf32>
    tpu.vector_store %arg17[%swap3A, %swap3A_95, %swap3A_96], %add3A_94 {strides = array<i32>} : memref<8x512x256xf32, #tpu.memory_space<vmem>>, vector<8x512x256xf32>,
    return
  }
  func.func @transform_0(%arg0: i32) -> (i32, i32, i32) {
    %c0_i32 = arith.constant 0 : i32
    %c0_i32_0 = arith.constant 0 : i32
    %c0_i32_1 = arith.constant 0 : i32
    return %arg0, %c0_i32, %c0_i32_0 : i32, i32, i32
  }
  func.func @transform_1(%arg0: i32) -> (i32, i32, i32) {
    %c0_i32 = arith.constant 0 : i32
    %c0_i32_0 = arith.constant 0 : i32
    %c0_i32_1 = arith.constant 0 : i32
    return %arg0, %c0_i32, %c0_i32_0 : i32, i32, i32
  }
  func.func @transform_2(%arg0: i32) -> (i32, i32, i32) {
    %c0_i32 = arith.constant 0 : i32
    %c0_i32_0 = arith.constant 0 : i32
    %c0_i32_1 = arith.constant 0 : i32
    return %arg0, %c0_i32, %c0_i32_0 : i32, i32, i32
  }
  func.func @transform_3(%arg0: i32) -> (i32, i32) {
    %c0_i32 = arith.constant 0 : i32
    %c0_i32_0 = arith.constant 0 : i32
    return %arg0, %c0_i32 : i32, i32
  }
  func.func @transform_4(%arg0: i32) -> (i32, i32) {
    %c0_i32 = arith.constant 0 : i32
    %c0_i32_0 = arith.constant 0 : i32
    return %arg0, %c0_i32 : i32, i32
  }
  func.func @transform_5(%arg0: i32) -> (i32, i32) {
    %c0_i32 = arith.constant 0 : i32
    %c0_i32_0 = arith.constant 0 : i32
    return %arg0, %c0_i32 : i32, i32
  }
  func.func @transform_6(%arg0: i32) -> (i32, i32) {
    %c0_i32 = arith.constant 0 : i32
    %c0_i32_0 = arith.constant 0 : i32
    return %arg0, %c0_i32 : i32, i32
  }
  func.func @transform_7(%arg0: i32) -> (i32, i32) {
    %c0_i32 = arith.constant 0 : i32
    %c0_i32_0 = arith.constant 0 : i32
    return %arg0, %c0_i32 : i32, i32
  }
  func.func @transform_8(%arg0: i32) -> (i32, i32, i32) {
    %c0_i32 = arith.constant 0 : i32
    %c0_i32_0 = arith.constant 0 : i32
    %c0_i32_1 = arith.constant 0 : i32
    return %arg0, %c0_i32, %c0_i32_0 : i32, i32, i32
  }
  func.func @transform_9(%arg0: i32) -> (i32, i32, i32) {
    %c0_i32 = arith.constant 0 : i32
    %c0_i32_0 = arith.constant 0 : i32
    %c0_i32_1 = arith.constant 0 : i32
    return %arg0, %c0_i32, %c0_i32_0 : i32, i32, i32
  }
  func.func @transform_10(%arg0: i32) -> (i32, i32) {
    %c0_i32 = arith.constant 0 : i32
    %c0_i32_0 = arith.constant 0 : i32
    %c0_i32_1 = arith.constant 0 : i32
    return %c0_i32, %c0_i32_0 : i32, i32
  }
  func.func @transform_11(%arg0: i32) -> (i32, i32) {
    %c0_i32 = arith.constant 0 : i32
    %c0_i32_0 = arith.constant 0 : i32
    %c0_i32_1 = arith.constant 0 : i32
    return %c0_i32, %c0_i32_0 : i32, i32
  }
  func.func @transform_12(%arg0: i32) -> (i32, i32) {
    %c0_i32 = arith.constant 0 : i32
    %c0_i32_0 = arith.constant 0 : i32
    %c0_i32_1 = arith.constant 0 : i32
    return %c0_i32, %c0_i32_0 : i32, i32
  }
  func.func @transform_13(%arg0: i32) -> (i32, i32) {
    %c0_i32 = arith.constant 0 : i32
    %c0_i32_0 = arith.constant 0 : i32
    %c0_i32_1 = arith.constant 0 : i32
    return %c0_i32, %c0_i32_0 : i32, i32
  }
  func.func @transform_14(%arg0: i32) -> (i32, i32) {
    %c0_i32 = arith.constant 0 : i32
    %c0_i32_0 = arith.constant 0 : i32
    %c0_i32_1 = arith.constant 0 : i32
    return %c0_i32, %c0_i32_0 : i32, i32
  }
  func.func @transform_15(%arg0: i32) -> (i32, i32) {
    %c0_i32 = arith.constant 0 : i32
    %c0_i32_0 = arith.constant 0 : i32
    %c0_i32_1 = arith.constant 0 : i32
    return %c0_i32, %c0_i32_0 : i32, i32
  }
  func.func @transform_16(%arg0: i32) -> (i32, i32, i32) {
    %c0_i32 = arith.constant 0 : i32
    %c0_i32_0 = arith.constant 0 : i32
    %c0_i32_1 = arith.constant 0 : i32
    return %arg0, %c0_i32, %c0_i32_0 : i32, i32, i32
  }
}

</mosaic_0001>

<sc_bundles>
// kernel: kernel.5.cloned.1.call-start
scs
__scs_entry_jumppad:
0x0: {  	(pc) =	sbr.rel $0x88, $3  }
0x1: {  	(tag) =	ssettag $0x0;
	lr =	simm.s32 $0x1  }
0x2: {  	[smem:$0x3F8F] =	sst lr;
	_ =	strace $0xD0000000  }
0x3: {  	_ = 	snop  }
0x4: {  	_ = 	snop  }
0x5: {  	_ = 	snop  }
0x6: {  	_ = 	snop  }
0x7: {  	_ = 	snop  }
__scs_overlays_trampoline_lowered:
0x8: {  	[smem:$0x3F9E] =	sst s0  }
0x9: {  	[smem:$0x3F9F] =	sst s1  }
0xa: {  	[smem:$0x3FA0] =	sst s2  }
0xb: {  	[smem:$0x3FA1] =	sst s3  }
0xc: {  	[smem:$0x3FA2] =	sst s4  }
0xd: {  	[smem:$0x3FA3] =	sst s5  }
0xe: {  	[smem:$0x3FA4] =	sst s6  }
0xf: {  	[smem:$0x3FA5] =	sst s7  }
0x10: {  	[smem:$0x3FA6] =	sst s8  }
0x11: {  	[smem:$0x3FA7] =	sst s9;
	s0 =	simm.s32 @!p0 $0x0  }
0x12: {  	s1 =	sld [smem:$0x3F8D];
	s0 =	simm.s32 @p0 $0x1  }
0x13: {  	[smem:$0x3FA8] =	sst s0;
	s0 =	simm.s32 @!p1 $0x0  }
0x14: {  	s2 =	sld [smem:$0x3F8C];
	s0 =	simm.s32 @p1 $0x1  }
0x15: {  	[smem:$0x3FA9] =	sst s0;
	s0 =	simm.s32 @!p2 $0x0  }
0x16: {  	s3 =	sld [smem:$0x3FDB];
	s0 =	simm.s32 @p2 $0x1  }
0x17: {  	s4 =	simm.s32 $0x1BF5;
	[smem:$0x3FAB] =	sst s0  }
0x18: {  	s0 =	sld [smem:$0x3F8E];
	_ =	swait.ge [sflag:s4], $0x0  }
0x19: {  	s7 =	sld [smem:$0x3F8F]  }
0x1a: {  	s8 =	sadd.s32 $0xFFFFE003, lr  }
0x1b: {  	s9 =	sadd.s32 $0xFFFFFEF7, lr;
	s5 =	simm.s32 $0xFFFFFFFF;
	p2 =	slt.u32 s8, $0xFFFFF086  }
0x1c: {  	p1 =	slt.u32 s9, $0xF7A;
	s5 =	simm.s32 @!p2 $0x0  }
0x1d: {  	s5 =	simm.s32 @p1 $0x1;
	p0 =	seq.s32 s7, s2  }
0x1e: {  	s7 =	smul.u32 @!p0 $0xF7A, s2;
	p2 =	seq.s32 @!p0 s5, $0x0  }
0x1f: {  	s9 =	smul.u32 $0xF7A, s1;
	s8 =	simm.s32 @!p0 $0x1BF5;
	p2 =	por !p2, p0  }
0x20: {  	[sflag:s8] =	ssyncset.s32 @!p0 $0xFFFFF086;
	s6 =	sadd.s32 @!p0 s3, s7;
	s7 =	simm.s32 @!p0 $0x108  }
0x21: {  	s3 =	sadd.s32 s3, s9;
	s6 =	sadd.s32 @!p0 $0x88, s6;
	s7 =	simm.s32 @p2 $0x1082  }
0x22: {  	[simem:s7], [sflag:s8] =	dma.local @!p0 [hbm:s6], $0xF7A  }
0x23: {  	s9 =	sor.u32 $0xD0000000, s2;
	s6 =	simm.s32 $0x108;
	_ =	swait.ge @!p0 [sflag:s8], $0x0  }
0x24: {  	s3 =	sadd.s32 $0x88, s3;
	s6 =	simm.s32 @!p1 $0x1082;
	[sflag:s4] =	ssyncset.s32 $0xFFFFF086  }
0x25: {  	[simem:s6], [sflag:s4] =	dma.local [hbm:s3], $0xF7A  }
0x26: {  	[smem:$0x3F8F] =	sst s1;
	(tag) =	ssettag s2;
	_ =	strace s9  }
0x27: {  	s1 =	sld [smem:$0x3F9F]  }
0x28: {  	s2 =	sld [smem:$0x3FA0]  }
0x29: {  	s4 =	sld [smem:$0x3FA2]  }
0x2a: {  	p0 =	seq.s32 s5, $0x0;
	s5 =	sld [smem:$0x3FA3]  }
0x2b: {  	s6 =	sld [smem:$0x3FA4]  }
0x2c: {  	s7 =	sld [smem:$0x3FA5]  }
0x2d: {  	s3 =	simm.s32 $0x108;
	s8 =	sld [smem:$0x3FA6]  }
0x2e: {  	s3 =	simm.s32 @!p0 $0x1082;
	s9 =	sld [smem:$0x3FA7]  }
0x2f: {  	lr =	sadd.s32 s0, s3;
	s0 =	sld [smem:$0x3F9E]  }
0x30: {  	s3 =	sld [smem:$0x3FA1]  }
0x31: {  	[smem:$0x3FAA] =	sst s10  }
0x32: {  	s10 =	sld [smem:$0x3FA8];
	_ =	sdelay $0x3  }
0x33: {  	p0 =	seq.s32 s10, $0x1;
	s10 =	sld [smem:$0x3FAA];
	_ =	sdelay $0x3  }
0x34: {  	[smem:$0x3FAA] =	sst s10  }
0x35: {  	s10 =	sld [smem:$0x3FA9];
	_ =	sdelay $0x3  }
0x36: {  	p1 =	seq.s32 s10, $0x1;
	s10 =	sld [smem:$0x3FAA];
	_ =	sdelay $0x3  }
0x37: {  	[smem:$0x3FAA] =	sst s10  }
0x38: {  	s10 =	sld [smem:$0x3FAB]  }
0x39: {  	_ = 	snop;
	(pc) =	sbr.ind lr, $3  }
0x3a: {  	_ = 	snop  }
0x3b: {  	_ = 	snop  }
0x3c: {  	p2 =	seq.s32 s10, $0x1;
	s10 =	sld [smem:$0x3FAA]  }
0x3d: {  	_ =	shalt  }
0x3e: {  	_ =	shalt  }
0x3f: {  	_ =	shalt  }
0x40: {  	_ =	shalt  }
0x41: {  	_ =	shalt  }
0x42: {  	_ =	shalt  }
0x43: {  	_ =	shalt  }
0x44: {  	_ =	shalt  }
0x45: {  	_ =	shalt  }
0x46: {  	_ =	shalt  }
0x47: {  	_ =	shalt  }
0x48: {  	_ =	shalt  }
0x49: {  	_ =	shalt  }
0x4a: {  	_ =	shalt  }
0x4b: {  	_ =	shalt  }
0x4c: {  	_ =	shalt  }
0x4d: {  	_ =	shalt  }
0x4e: {  	_ =	shalt  }
0x4f: {  	_ =	shalt  }
0x50: {  	_ =	shalt  }
0x51: {  	_ =	shalt  }
0x52: {  	_ =	shalt  }
0x53: {  	_ =	shalt  }
0x54: {  	_ =	shalt  }
0x55: {  	_ =	shalt  }
0x56: {  	_ =	shalt  }
0x57: {  	_ =	shalt  }
0x58: {  	_ =	shalt  }
0x59: {  	_ =	shalt  }
0x5a: {  	_ =	shalt  }
0x5b: {  	_ =	shalt  }
0x5c: {  	_ =	shalt  }
0x5d: {  	_ =	shalt  }
0x5e: {  	_ =	shalt  }
0x5f: {  	_ =	shalt  }
0x60: {  	_ =	shalt  }
0x61: {  	_ =	shalt  }
0x62: {  	_ =	shalt  }
0x63: {  	_ =	shalt  }
0x64: {  	_ =	shalt  }
0x65: {  	_ =	shalt  }
0x66: {  	_ =	shalt  }
0x67: {  	_ =	shalt  }
0x68: {  	_ =	shalt  }
0x69: {  	_ =	shalt  }
0x6a: {  	_ =	shalt  }
0x6b: {  	_ =	shalt  }
0x6c: {  	_ =	shalt  }
0x6d: {  	_ =	shalt  }
0x6e: {  	_ =	shalt  }
0x6f: {  	_ =	shalt  }
0x70: {  	_ =	shalt  }
0x71: {  	_ =	shalt  }
0x72: {  	_ =	shalt  }
0x73: {  	_ =	shalt  }
0x74: {  	_ =	shalt  }
0x75: {  	_ =	shalt  }
0x76: {  	_ =	shalt  }
0x77: {  	_ =	shalt  }
0x78: {  	_ =	shalt  }
0x79: {  	_ =	shalt  }
0x7a: {  	_ =	shalt  }
0x7b: {  	_ =	shalt  }
0x7c: {  	_ =	shalt  }
0x7d: {  	_ =	shalt  }
0x7e: {  	_ =	shalt  }
0x7f: {  	_ =	shalt  }
0x80: {  	_ =	shalt  }
0x81: {  	_ =	shalt  }
0x82: {  	_ =	shalt  }
0x83: {  	_ =	shalt  }
0x84: {  	_ =	shalt  }
0x85: {  	_ =	shalt  }
0x86: {  	_ =	shalt  }
0x87: {  	_ =	shalt  }
.Lfunc_end0:
.L_simem_size_0:
called_computation_lowered:
.L_overlay_start_0:
0x88: {  	s2 =	sld [smem:$0x3FD9]  }
0x89: {  	s3 =	sld [smem:$0x3FFE];
	_ =	sdelay $0x1  }
0x8a: {  	s1 =	srdreg.scid  }
0x8b: {  	s0 =	sand.u32 $0x1, s1  }
0x8c: {  	s17 =	sshll.u32 s0, $0xA;
	s2 =	sadd.s32 s3, s2  }
0x8d: {  	s2 =	sadd.s32 s2, s17  }
0x8e: {  	[smem:$0x3FB6] =	sst s2  }
0x8f: {  	_ = 	snop  }
0x90: {  	s2 =	sld [smem:$0x3FD0];
	(tm) =	ssettm $0x1  }
0x91: {  	s18 =	sld [smem:$0x3FFB];
	_ =	sdelay $0x3  }
0x92: {  	_ =	strace s18  }
0x93: {  	s3 =	sld [smem:$0x3FFC];
	_ =	sdelay $0x3  }
0x94: {  	_ =	strace s3  }
0x95: {  	s3 =	sld [smem:$0x3FFD];
	_ =	sdelay $0x3  }
0x96: {  	_ =	strace s3  }
0x97: {  	_ =	strace $0x8FFFFFFF  }
0x98: {  	s19 =	sld [smem:$0x3FDB];
	_ =	sdelay $0x1  }
0x99: {  	s4 =	simm.s32 $_scs_section_size  }
0x9a: {  	s5 =	simm.s32 $_size__tile_overlayer_lowered;
	s6 =	simm.s32 $_tile_overlayer_lowered  }
0x9b: {  	s22 =	simm.s32 $0x1BFF;
	s21 =	sshll.u32 s6, $0x1;
	s3 =	sadd.s32 s4, s19  }
0x9c: {  	s7 =	simm.s32 $0x0;
	s20 =	sshll.u32 s5, $0x1;
	s5 =	sadd.s32 s21, s3  }
0x9d: {  	[timem:s7], [sflag:s22] =	dma.local [hbm:s5], s20  }
0x9e: {  	_ =	swait.ge [sflag:s22], s20  }
0x9f: {  	s4 =	ssub.s32 $0x0, s20;
	[sflag:s22] =	ssyncset.done $0x0  }
0xa0: {  	[sflag:s22] =	ssyncadd.s32 s4;
	_ =	sdelay $0x1  }
0xa1: {  	s23 =	simm.s32 $0x1B8B  }
0xa2: {  	_ =	swait.ge [sflag:s23], $0x1  }
0xa3: {  	[sflag:s23] =	ssyncset.done $0x0  }
0xa4: {  	s25 =	simm.s32 $0x1B8E;
	s24 =	sld [smem:$0x3FFE];
	[sflag:s23] =	ssyncadd.s32 $0xFFFFFFFF  }
0xa5: {  	s26 =	simm.s32 $execute0_lowered;
	[smem:$0x3FD2] =	sst s25  }
0xa6: {  	s5 =	sshll.u32 s26, $0x1;
	_ =	strace $0x80000046;
	[dreg:$0x1] =	wrdreg $0xFFFFFFFF  }
0xa7: {  	s28 =	simm.s32 $_size_execute0_lowered;
	s3 =	sadd.s32 s3, s5;
	[dreg:$0x0] =	wrdreg $0x0  }
0xa8: {  	s5 =	sshll.u32 s28, $0x1;
	[dreg:$0x2] =	wrdreg s3  }
0xa9: {  	[dreg:$0x3] =	wrdreg s5  }
0xaa: {  	[dreg:$0x4] =	wrdreg $0xC0  }
0xab: {  	_ =	task [dreg:s7], $0x5FFFF  }
0xac: {  	[dreg:$0x1] =	wrdreg $0xFFFFFFFF  }
0xad: {  	[dreg:$0x0] =	wrdreg $0x60  }
0xae: {  	[dreg:$0x2] =	wrdreg s2  }
0xaf: {  	[dreg:$0x3] =	wrdreg s24  }
0xb0: {  	[dreg:$0x4] =	wrdreg $0x9  }
0xb1: {  	_ =	task.clear_ibuf [dreg:s7], $0x5FFFF;
	_ =	strace $0x90000046  }
0xb2: {  	s29 =	simm.s32 $0x9;
	_ =	strace $0x80000048  }
0xb3: {  	_ =	swait.ge [sflag:s29], $0x1  }
0xb4: {  	[sflag:s29] =	ssyncadd.s32 $0xFFFFFFFF  }
0xb5: {  	_ =	strace $0x90000048  }
0xb6: {  	_ =	sfence  }
0xb7: {  	s30 =	sld [smem:$0x0];
	_ =	sdelay $0x2  }
0xb8: {  	s31 =	sshll.u32 s1, $0xD;
	s1 =	sshrl.u32 s1, $0x2  }
0xb9: {  	s3 =	sand.u32 $0x4000, s31;
	s1 =	sadd.s32 s1, s30  }
0xba: {  	s0 =	sor.u32 s3, s0;
	s1 =	sshll.u32 s1, $0x11  }
0xbb: {  	s0 =	sor.u32 s1, s0  }
0xbc: {  	s0 =	sadd.s32 $0x8F2B, s0  }
0xbd: {  	[sflag:s0] =	ssyncadd.remote.s32 $0x1  }
0xbe: {  	_ =	sfence.sel $0xFFFF  }
0xbf: {  	[dreg:$0x0] =	wrdreg $0xFFFFFFFF;
	(pc) =	sbr.abs _section_cstart, $3  }
0xc0: {  	[dreg:$0x1] =	wrdreg $0xFFFFFFFF  }
0xc1: {  	_ =	task.clear_ibuf [dreg:s7], $0x2FFFF;
	_ =	strace $0x9FFFFFFF  }
0xc2: {  	(tm) =	ssettm $0x7FFFFFFF  }
0xc3: {  	_ =	shalt  }
tec
execute0_lowered:
.L_overlay_start_1:
0x0: {  	(tag) =	ssettag $0x1  }
0x1: {  	s1 =	rddreg [dreg:$0x0];
	s2 =	srdreg.scid  }
0x2: {  	s0 =	rddreg [dreg:$0x1];
	s4 =	stileid.u32;
	s2 =	sand.u32 $0x1, s2  }
0x3: {  	s4 =	sshll.u32 s4, $0xB;
	s5 =	sshll.u32 s2, $0xA;
	s2 =	ssub.s32 $0x2, s2  }
0x4: {  	s3 =	simm.s32 $0x0;
	s4 =	sor.u32 s5, s4;
	s9 =	sshrl.u32 s2, $0x1  }
0x5: {  	[smem:$0x7FF] =	sst s3;
	s5 =	sshrl.u32 s4, $0x3;
	s2 =	ssub.s32 s2, s9  }
0x6: {  	_ =	strace $0x80000047;
	s5 =	sadd.s32 s5, s0;
	s31 =	smax.u32 s2, $0x1  }
0x7: {  	s4 =	sshll.u32 s4, $0x5;
	s10 =	sadd.s32 $0x2400, s5;
	[dreg:$0x15] =	wrdreg s31  }
0x8: {  	s0 =	sadd.s32 s4, s0;
	s11 =	sadd.s32 $0x3400, s5;
	[dreg:$0x3] =	wrdreg s10  }
0x9: {  	s12 =	sadd.s32 $0x4400, s0;
	[dreg:$0x4] =	wrdreg s11  }
0xa: {  	s13 =	sadd.s32 $0x4C00, s0;
	[dreg:$0x5] =	wrdreg s12  }
0xb: {  	s14 =	sadd.s32 $0x5400, s0;
	[dreg:$0x6] =	wrdreg s13  }
0xc: {  	s15 =	sadd.s32 $0x5C00, s0;
	[dreg:$0x7] =	wrdreg s14  }
0xd: {  	s16 =	sadd.s32 $0x6400, s0;
	[dreg:$0x8] =	wrdreg s15  }
0xe: {  	s17 =	sadd.s32 $0x6C00, s0;
	[dreg:$0x9] =	wrdreg s16  }
0xf: {  	s18 =	sadd.s32 $0x7400, s0;
	[dreg:$0xa] =	wrdreg s17  }
0x10: {  	s19 =	sadd.s32 $0x7C00, s0;
	[dreg:$0xb] =	wrdreg s18  }
0x11: {  	s20 =	sadd.s32 $0x8400, s0;
	[dreg:$0xc] =	wrdreg s19  }
0x12: {  	s21 =	sadd.s32 $0x8C00, s0;
	[dreg:$0xd] =	wrdreg s20  }
0x13: {  	s22 =	sadd.s32 $0x9400, s0;
	[dreg:$0xe] =	wrdreg s21  }
0x14: {  	s23 =	sadd.s32 $0x9C00, s0;
	[dreg:$0xf] =	wrdreg s22  }
0x15: {  	s28 =	simm.s32 $0xF000;
	s24 =	sadd.s32 $0xA400, s0;
	[dreg:$0x10] =	wrdreg s23  }
0x16: {  	s29 =	simm.s32 $0xF800;
	s25 =	sadd.s32 $0xAC00, s0;
	[dreg:$0x11] =	wrdreg s24  }
0x17: {  	s30 =	simm.s32 $0x10000;
	s26 =	sadd.s32 $0xB400, s0;
	[dreg:$0x12] =	wrdreg s25  }
0x18: {  	s4 =	simm.s32 $0x0;
	s0 =	sadd.s32 $0xBC00, s0;
	[dreg:$0x13] =	wrdreg s26  }
0x19: {  	[dreg:$0x14] =	wrdreg s0;
	s21 =	simm.s32 $0x1;
	s17 =	simm.s32 $0x2  }
0x1a: {  	v2 =	vlaneseq.u32;
	s20 =	simm.s32 $0x8;
	s22 =	simm.s32 $0x9;
	s24 =	simm.s32 $0x800  }
0x1b: {  	vm0 =	vmmov $0xffff;
	v1 =	vshrl.u32 v2, $0x3;
	s18 =	simm.s32 $0x4800;
	s23 =	simm.s32 $0x8800;
	s19 =	simm.s32 $0xC800  }
0x1c: {  	v0 =	vand.u32 $0x7, v2;
	v2 =	vor.u32 $0x8, v2;
	v1 =	vmul.u32 $0x8, v1;
	s25 =	simm.s32 $0xD000;
	s26 =	simm.s32 $0xE800;
	s12 =	simm.s32 $0x10800  }
.LBB2_1:
0x1d: {  	s5 =	rddreg [dreg:$0x3];
	s7 =	simm.s32 $0xF  }
0x1e: {  	[tilespmem:s3], [sflag:$0xF] =	stream.linear.gather [hbm4b:s5+s3], $0x400, $0x38;
	[tilespmem:$0x1C800] =	vst v63  }
0x1f: {  	_ =	swait.ge [sflag:s7], $0x400  }
0x20: {  	[sflag:s7] =	ssyncset.done $0x0  }
0x21: {  	s6 =	simm.s32 $0x400;
	s31 =	rddreg [dreg:$0x4];
	[sflag:s7] =	ssyncadd.s32 $0xFFFFFC00  }
0x22: {  	[tilespmem:s6], [sflag:$0xF] =	stream.linear.gather [hbm4b:s31+s3], $0x400, $0x38;
	[tilespmem:$0x1C800] =	vst v63  }
0x23: {  	_ =	swait.ge [sflag:s7], $0x400  }
0x24: {  	[sflag:s7] =	ssyncset.done $0x0  }
0x25: {  	s5 =	simm.s32 $0x0;
	[sflag:s7] =	ssyncadd.s32 $0xFFFFFC00  }
0x26: {  	v3 =	vld [tilespmem:s5+$0x400];
	_ =	sdelay $0x4  }
0x27: {  	vm1 =	vlt.f32 v3, $0.0e+00;
	vm2 =	vgt.f32 v3, $0.0e+00;
	v3 =	vld [tilespmem:s5+$0x0];
	_ =	sdelay $0x3  }
0x28: {  	s6 =	simm.s32 $0x10;
	s7 =	simm.s32 $0x80;
	vm1 =	vmor vm2, vm1  }
.LBB2_2:
0x29: {  	p0 =	sne.s32 s7, $0xFC0;
	v4 =	vld [tilespmem:s6+$0x400];
	v3 =	vnsel vm1, $0x200, v3  }
0x2a: {  	[tilespmem:s5+$0x0] =	vst v3;
	s5 =	smov.u32 s6  }
.Ltmp0:
0x2b: {  	v3 =	vld [tilespmem:s5+$0x0];
	(pc) =	sbr.rel @p0 .LBB2_2-.Ltmp0, $3  }
0x2c: {  	_ =	sdelay $0x1  }
0x2d: {  	vm1 =	vlt.f32 v4, $0.0e+00;
	vm2 =	vgt.f32 v4, $0.0e+00  }
0x2e: {  	s6 =	sshra.s32 s7, $0x2;
	s7 =	sadd.s32 $0x40, s7;
	vm1 =	vmor vm2, vm1  }
0x2f: {  	v4 =	vld [tilespmem:s6+$0x400];
	v3 =	vnsel vm1, $0x200, v3  }
0x30: {  	[tilespmem:s5+$0x0] =	vst v3  }
0x31: {  	v3 =	vld [tilespmem:s6+$0x0];
	_ =	sdelay $0x2  }
0x32: {  	vm1 =	vlt.f32 v4, $0.0e+00;
	vm2 =	vgt.f32 v4, $0.0e+00  }
0x33: {  	vm1 =	vmor vm2, vm1  }
0x34: {  	v3 =	vnsel vm1, $0x200, v3  }
0x35: {  	[tilespmem:s6+$0x0] =	vst v3  }
0x36: {  	v3 =	vld [tilespmem:$0x0];
	_ =	sdelay $0x4  }
0x37: {  	v56 =	vshll.u32 v3, $0x1  }
0x38: {  	v3 =	vand.u32 $0x7, v3;
	v4 =	vand.u32 $0xFFFFFFF0, v56  }
0x39: {  	v3 =	vor.u32 v3, v4  }
0x3a: {  	v4 =	vperm.xlane v3, v0;
	_ =	sdelay $0x1  }
0x3b: {  	v3 =	vperm.xlane v3, v2;
	v4 =	vadd.s32 v1, v4;
	_ =	sdelay $0x1  }
0x3c: {  	v3 =	vadd.s32 v1, v3;
	_ =	sdelay $0x2  }
0x3d: {  	[tilespmem:s24], [sflag:$0x1] =	stream.indirect_vreg.gather [hbm4b:s1+s3], $0x80, v4, vm0, $0xb8;
	[tilespmem:$0x1C800] =	vst v63  }
0x3e: {  	s0 =	simm.s32 $0x1000  }
0x3f: {  	[tilespmem:s0], [sflag:$0x1] =	stream.indirect_vreg.gather [hbm4b:s1+s3], $0x80, v3, vm0, $0xb8;
	[tilespmem:$0x1C800] =	vst v63  }
0x40: {  	v3 =	vld [tilespmem:$0x10];
	_ =	sdelay $0x4  }
0x41: {  	v57 =	vshll.u32 v3, $0x1  }
0x42: {  	v3 =	vand.u32 $0x7, v3;
	v4 =	vand.u32 $0xFFFFFFF0, v57  }
0x43: {  	v3 =	vor.u32 v3, v4  }
0x44: {  	v4 =	vperm.xlane v3, v0;
	_ =	sdelay $0x1  }
0x45: {  	v3 =	vperm.xlane v3, v2;
	v4 =	vadd.s32 v1, v4;
	_ =	sdelay $0x1  }
0x46: {  	v3 =	vadd.s32 v1, v3;
	_ =	sdelay $0x1  }
0x47: {  	s15 =	simm.s32 $0x1800  }
0x48: {  	[tilespmem:s15], [sflag:$0x1] =	stream.indirect_vreg.gather [hbm4b:s1+s3], $0x80, v4, vm0, $0xb8;
	[tilespmem:$0x1C800] =	vst v63  }
0x49: {  	s16 =	simm.s32 $0x2000  }
0x4a: {  	[tilespmem:s16], [sflag:$0x1] =	stream.indirect_vreg.gather [hbm4b:s1+s3], $0x80, v3, vm0, $0xb8;
	[tilespmem:$0x1C800] =	vst v63  }
0x4b: {  	v3 =	vld [tilespmem:$0x20];
	_ =	sdelay $0x4  }
0x4c: {  	v58 =	vshll.u32 v3, $0x1  }
0x4d: {  	v3 =	vand.u32 $0x7, v3;
	v4 =	vand.u32 $0xFFFFFFF0, v58  }
0x4e: {  	v3 =	vor.u32 v3, v4  }
0x4f: {  	v4 =	vperm.xlane v3, v0;
	_ =	sdelay $0x1  }
0x50: {  	v3 =	vperm.xlane v3, v2;
	v4 =	vadd.s32 v1, v4;
	_ =	sdelay $0x1  }
0x51: {  	v3 =	vadd.s32 v1, v3;
	_ =	sdelay $0x1  }
0x52: {  	s31 =	simm.s32 $0x2800  }
0x53: {  	[tilespmem:s31], [sflag:$0x1] =	stream.indirect_vreg.gather [hbm4b:s1+s3], $0x80, v4, vm0, $0xb8;
	[tilespmem:$0x1C800] =	vst v63  }
0x54: {  	s5 =	simm.s32 $0x3000  }
0x55: {  	[tilespmem:s5], [sflag:$0x1] =	stream.indirect_vreg.gather [hbm4b:s1+s3], $0x80, v3, vm0, $0xb8;
	[tilespmem:$0x1C800] =	vst v63  }
0x56: {  	v3 =	vld [tilespmem:$0x30];
	_ =	sdelay $0x4  }
0x57: {  	v59 =	vshll.u32 v3, $0x1  }
0x58: {  	v3 =	vand.u32 $0x7, v3;
	v4 =	vand.u32 $0xFFFFFFF0, v59  }
0x59: {  	v3 =	vor.u32 v3, v4  }
0x5a: {  	v4 =	vperm.xlane v3, v0;
	_ =	sdelay $0x1  }
0x5b: {  	v3 =	vperm.xlane v3, v2;
	v4 =	vadd.s32 v1, v4;
	_ =	sdelay $0x1  }
0x5c: {  	v3 =	vadd.s32 v1, v3;
	_ =	sdelay $0x1  }
0x5d: {  	s6 =	simm.s32 $0x3800  }
0x5e: {  	[tilespmem:s6], [sflag:$0x1] =	stream.indirect_vreg.gather [hbm4b:s1+s3], $0x80, v4, vm0, $0xb8;
	[tilespmem:$0x1C800] =	vst v63  }
0x5f: {  	s7 =	simm.s32 $0x4000  }
0x60: {  	[tilespmem:s7], [sflag:$0x1] =	stream.indirect_vreg.gather [hbm4b:s1+s3], $0x80, v3, vm0, $0xb8;
	[tilespmem:$0x1C800] =	vst v63  }
0x61: {  	v3 =	vld [tilespmem:$0x40];
	_ =	sdelay $0x4  }
0x62: {  	v60 =	vshll.u32 v3, $0x1  }
0x63: {  	v3 =	vand.u32 $0x7, v3;
	v4 =	vand.u32 $0xFFFFFFF0, v60  }
0x64: {  	v3 =	vor.u32 v3, v4  }
0x65: {  	v4 =	vperm.xlane v3, v0;
	_ =	sdelay $0x1  }
0x66: {  	v3 =	vperm.xlane v3, v2;
	v4 =	vadd.s32 v1, v4;
	_ =	sdelay $0x1  }
0x67: {  	v3 =	vadd.s32 v1, v3;
	_ =	sdelay $0x2  }
0x68: {  	[tilespmem:s18], [sflag:$0x2] =	stream.indirect_vreg.gather [hbm4b:s1+s3], $0x80, v4, vm0, $0xb8;
	[tilespmem:$0x1C800] =	vst v63  }
0x69: {  	s8 =	simm.s32 $0x5000  }
0x6a: {  	[tilespmem:s8], [sflag:$0x2] =	stream.indirect_vreg.gather [hbm4b:s1+s3], $0x80, v3, vm0, $0xb8;
	[tilespmem:$0x1C800] =	vst v63  }
0x6b: {  	v3 =	vld [tilespmem:$0x50];
	_ =	sdelay $0x4  }
0x6c: {  	v61 =	vshll.u32 v3, $0x1  }
0x6d: {  	v3 =	vand.u32 $0x7, v3;
	v4 =	vand.u32 $0xFFFFFFF0, v61  }
0x6e: {  	v3 =	vor.u32 v3, v4  }
0x6f: {  	v4 =	vperm.xlane v3, v0;
	_ =	sdelay $0x1  }
0x70: {  	v3 =	vperm.xlane v3, v2;
	v4 =	vadd.s32 v1, v4;
	_ =	sdelay $0x1  }
0x71: {  	v3 =	vadd.s32 v1, v3;
	_ =	sdelay $0x1  }
0x72: {  	s9 =	simm.s32 $0x5800  }
0x73: {  	[tilespmem:s9], [sflag:$0x2] =	stream.indirect_vreg.gather [hbm4b:s1+s3], $0x80, v4, vm0, $0xb8;
	[tilespmem:$0x1C800] =	vst v63  }
0x74: {  	s10 =	simm.s32 $0x6000  }
0x75: {  	[tilespmem:s10], [sflag:$0x2] =	stream.indirect_vreg.gather [hbm4b:s1+s3], $0x80, v3, vm0, $0xb8;
	[tilespmem:$0x1C800] =	vst v63  }
0x76: {  	v3 =	vld [tilespmem:$0x60];
	_ =	sdelay $0x4  }
0x77: {  	v62 =	vshll.u32 v3, $0x1  }
0x78: {  	v3 =	vand.u32 $0x7, v3;
	v4 =	vand.u32 $0xFFFFFFF0, v62  }
0x79: {  	v3 =	vor.u32 v3, v4  }
0x7a: {  	v4 =	vperm.xlane v3, v0;
	_ =	sdelay $0x1  }
0x7b: {  	v3 =	vperm.xlane v3, v2;
	v4 =	vadd.s32 v1, v4;
	_ =	sdelay $0x1  }
0x7c: {  	v3 =	vadd.s32 v1, v3;
	_ =	sdelay $0x1  }
0x7d: {  	s11 =	simm.s32 $0x6800  }
0x7e: {  	[tilespmem:s11], [sflag:$0x2] =	stream.indirect_vreg.gather [hbm4b:s1+s3], $0x80, v4, vm0, $0xb8;
	[tilespmem:$0x1C800] =	vst v63  }
0x7f: {  	s13 =	simm.s32 $0x7000  }
0x80: {  	[tilespmem:s13], [sflag:$0x2] =	stream.indirect_vreg.gather [hbm4b:s1+s3], $0x80, v3, vm0, $0xb8;
	[tilespmem:$0x1C800] =	vst v63  }
0x81: {  	v3 =	vld [tilespmem:$0x70];
	_ =	sdelay $0x4  }
0x82: {  	v63 =	vshll.u32 v3, $0x1  }
0x83: {  	v3 =	vand.u32 $0x7, v3;
	v4 =	vand.u32 $0xFFFFFFF0, v63  }
0x84: {  	v3 =	vor.u32 v3, v4  }
0x85: {  	v4 =	vperm.xlane v3, v0;
	_ =	sdelay $0x1  }
0x86: {  	v3 =	vperm.xlane v3, v2;
	v4 =	vadd.s32 v1, v4;
	_ =	sdelay $0x1  }
0x87: {  	v3 =	vadd.s32 v1, v3;
	_ =	sdelay $0x1  }
0x88: {  	s14 =	simm.s32 $0x7800  }
0x89: {  	[tilespmem:s14], [sflag:$0x2] =	stream.indirect_vreg.gather [hbm4b:s1+s3], $0x80, v4, vm0, $0xb8;
	[tilespmem:$0x1C800] =	vst v63  }
0x8a: {  	s16 =	simm.s32 $0x8000  }
0x8b: {  	[tilespmem:s16], [sflag:$0x2] =	stream.indirect_vreg.gather [hbm4b:s1+s3], $0x80, v3, vm0, $0xb8;
	[tilespmem:$0x1C800] =	vst v63  }
0x8c: {  	v3 =	vld [tilespmem:$0x80];
	_ =	sdelay $0x4  }
0x8d: {  	v8 =	vshll.u32 v3, $0x1  }
0x8e: {  	v3 =	vand.u32 $0x7, v3;
	v4 =	vand.u32 $0xFFFFFFF0, v8  }
0x8f: {  	v3 =	vor.u32 v3, v4  }
0x90: {  	v4 =	vperm.xlane v3, v0;
	_ =	sdelay $0x1  }
0x91: {  	v3 =	vperm.xlane v3, v2;
	v4 =	vadd.s32 v1, v4;
	_ =	sdelay $0x1  }
0x92: {  	v3 =	vadd.s32 v1, v3;
	_ =	sdelay $0x2  }
0x93: {  	[tilespmem:s23], [sflag:$0x3] =	stream.indirect_vreg.gather [hbm4b:s1+s3], $0x80, v4, vm0, $0xb8;
	[tilespmem:$0x1C800] =	vst v63  }
0x94: {  	s13 =	simm.s32 $0x9000  }
0x95: {  	[tilespmem:s13], [sflag:$0x3] =	stream.indirect_vreg.gather [hbm4b:s1+s3], $0x80, v3, vm0, $0xb8;
	[tilespmem:$0x1C800] =	vst v63  }
0x96: {  	v3 =	vld [tilespmem:$0x90];
	_ =	sdelay $0x4  }
0x97: {  	v9 =	vshll.u32 v3, $0x1  }
0x98: {  	v3 =	vand.u32 $0x7, v3;
	v4 =	vand.u32 $0xFFFFFFF0, v9  }
0x99: {  	v3 =	vor.u32 v3, v4  }
0x9a: {  	v4 =	vperm.xlane v3, v0;
	_ =	sdelay $0x1  }
0x9b: {  	v3 =	vperm.xlane v3, v2;
	v4 =	vadd.s32 v1, v4;
	_ =	sdelay $0x1  }
0x9c: {  	v3 =	vadd.s32 v1, v3;
	_ =	sdelay $0x1  }
0x9d: {  	s14 =	simm.s32 $0x9800  }
0x9e: {  	[tilespmem:s14], [sflag:$0x3] =	stream.indirect_vreg.gather [hbm4b:s1+s3], $0x80, v4, vm0, $0xb8;
	[tilespmem:$0x1C800] =	vst v63  }
0x9f: {  	s16 =	simm.s32 $0xA000  }
0xa0: {  	[tilespmem:s16], [sflag:$0x3] =	stream.indirect_vreg.gather [hbm4b:s1+s3], $0x80, v3, vm0, $0xb8;
	[tilespmem:$0x1C800] =	vst v63  }
0xa1: {  	v3 =	vld [tilespmem:$0xA0];
	_ =	sdelay $0x4  }
0xa2: {  	v10 =	vshll.u32 v3, $0x1  }
0xa3: {  	v3 =	vand.u32 $0x7, v3;
	v4 =	vand.u32 $0xFFFFFFF0, v10  }
0xa4: {  	v3 =	vor.u32 v3, v4  }
0xa5: {  	v4 =	vperm.xlane v3, v0;
	_ =	sdelay $0x1  }
0xa6: {  	v3 =	vperm.xlane v3, v2;
	v4 =	vadd.s32 v1, v4;
	_ =	sdelay $0x1  }
0xa7: {  	v3 =	vadd.s32 v1, v3;
	_ =	sdelay $0x1  }
0xa8: {  	s8 =	simm.s32 $0xA800  }
0xa9: {  	[tilespmem:s8], [sflag:$0x3] =	stream.indirect_vreg.gather [hbm4b:s1+s3], $0x80, v4, vm0, $0xb8;
	[tilespmem:$0x1C800] =	vst v63  }
0xaa: {  	s9 =	simm.s32 $0xB000  }
0xab: {  	[tilespmem:s9], [sflag:$0x3] =	stream.indirect_vreg.gather [hbm4b:s1+s3], $0x80, v3, vm0, $0xb8;
	[tilespmem:$0x1C800] =	vst v63  }
0xac: {  	v3 =	vld [tilespmem:$0xB0];
	_ =	sdelay $0x4  }
0xad: {  	v11 =	vshll.u32 v3, $0x1  }
0xae: {  	v3 =	vand.u32 $0x7, v3;
	v4 =	vand.u32 $0xFFFFFFF0, v11  }
0xaf: {  	v3 =	vor.u32 v3, v4  }
0xb0: {  	v4 =	vperm.xlane v3, v0;
	_ =	sdelay $0x1  }
0xb1: {  	v3 =	vperm.xlane v3, v2;
	v4 =	vadd.s32 v1, v4;
	_ =	sdelay $0x1  }
0xb2: {  	v3 =	vadd.s32 v1, v3;
	_ =	sdelay $0x1  }
0xb3: {  	s10 =	simm.s32 $0xB800  }
0xb4: {  	[tilespmem:s10], [sflag:$0x3] =	stream.indirect_vreg.gather [hbm4b:s1+s3], $0x80, v4, vm0, $0xb8;
	[tilespmem:$0x1C800] =	vst v63  }
0xb5: {  	s11 =	simm.s32 $0xC000  }
0xb6: {  	[tilespmem:s11], [sflag:$0x3] =	stream.indirect_vreg.gather [hbm4b:s1+s3], $0x80, v3, vm0, $0xb8;
	[tilespmem:$0x1C800] =	vst v63  }
0xb7: {  	v3 =	vld [tilespmem:$0xC0];
	_ =	sdelay $0x4  }
0xb8: {  	v12 =	vshll.u32 v3, $0x1  }
0xb9: {  	v3 =	vand.u32 $0x7, v3;
	v4 =	vand.u32 $0xFFFFFFF0, v12  }
0xba: {  	v3 =	vor.u32 v3, v4  }
0xbb: {  	v4 =	vperm.xlane v3, v0;
	_ =	sdelay $0x1  }
0xbc: {  	v3 =	vperm.xlane v3, v2;
	v4 =	vadd.s32 v1, v4;
	_ =	sdelay $0x1  }
0xbd: {  	v3 =	vadd.s32 v1, v3;
	_ =	sdelay $0x2  }
0xbe: {  	[tilespmem:s19], [sflag:$0x4] =	stream.indirect_vreg.gather [hbm4b:s1+s3], $0x80, v4, vm0, $0xb8;
	[tilespmem:$0x1C800] =	vst v63  }
0xbf: {  	_ = 	snop  }
0xc0: {  	[tilespmem:s25], [sflag:$0x4] =	stream.indirect_vreg.gather [hbm4b:s1+s3], $0x80, v3, vm0, $0xb8;
	[tilespmem:$0x1C800] =	vst v63  }
0xc1: {  	v3 =	vld [tilespmem:$0xD0];
	_ =	sdelay $0x4  }
0xc2: {  	v13 =	vshll.u32 v3, $0x1  }
0xc3: {  	v3 =	vand.u32 $0x7, v3;
	v4 =	vand.u32 $0xFFFFFFF0, v13  }
0xc4: {  	v3 =	vor.u32 v3, v4  }
0xc5: {  	v4 =	vperm.xlane v3, v0;
	_ =	sdelay $0x1  }
0xc6: {  	v3 =	vperm.xlane v3, v2;
	v4 =	vadd.s32 v1, v4;
	_ =	sdelay $0x1  }
0xc7: {  	v3 =	vadd.s32 v1, v3;
	_ =	sdelay $0x1  }
0xc8: {  	s5 =	simm.s32 $0xD800  }
0xc9: {  	[tilespmem:s5], [sflag:$0x4] =	stream.indirect_vreg.gather [hbm4b:s1+s3], $0x80, v4, vm0, $0xb8;
	[tilespmem:$0x1C800] =	vst v63  }
0xca: {  	s6 =	simm.s32 $0xE000  }
0xcb: {  	[tilespmem:s6], [sflag:$0x4] =	stream.indirect_vreg.gather [hbm4b:s1+s3], $0x80, v3, vm0, $0xb8;
	[tilespmem:$0x1C800] =	vst v63  }
0xcc: {  	v3 =	vld [tilespmem:$0xE0];
	_ =	sdelay $0x4  }
0xcd: {  	v14 =	vshll.u32 v3, $0x1  }
0xce: {  	v3 =	vand.u32 $0x7, v3;
	v4 =	vand.u32 $0xFFFFFFF0, v14  }
0xcf: {  	v3 =	vor.u32 v3, v4  }
0xd0: {  	v4 =	vperm.xlane v3, v0;
	_ =	sdelay $0x1  }
0xd1: {  	v3 =	vperm.xlane v3, v2;
	v4 =	vadd.s32 v1, v4;
	_ =	sdelay $0x1  }
0xd2: {  	v3 =	vadd.s32 v1, v3;
	_ =	sdelay $0x2  }
0xd3: {  	[tilespmem:s26], [sflag:$0x4] =	stream.indirect_vreg.gather [hbm4b:s1+s3], $0x80, v4, vm0, $0xb8;
	[tilespmem:$0x1C800] =	vst v63  }
0xd4: {  	_ = 	snop  }
0xd5: {  	[tilespmem:s28], [sflag:$0x4] =	stream.indirect_vreg.gather [hbm4b:s1+s3], $0x80, v3, vm0, $0xb8;
	[tilespmem:$0x1C800] =	vst v63  }
0xd6: {  	v3 =	vld [tilespmem:$0xF0];
	_ =	sdelay $0x4  }
0xd7: {  	v15 =	vshll.u32 v3, $0x1  }
0xd8: {  	v3 =	vand.u32 $0x7, v3;
	v4 =	vand.u32 $0xFFFFFFF0, v15  }
0xd9: {  	v3 =	vor.u32 v3, v4  }
0xda: {  	v4 =	vperm.xlane v3, v0;
	_ =	sdelay $0x1  }
0xdb: {  	v3 =	vperm.xlane v3, v2;
	v4 =	vadd.s32 v1, v4;
	_ =	sdelay $0x1  }
0xdc: {  	v3 =	vadd.s32 v1, v3;
	_ =	sdelay $0x2  }
0xdd: {  	[tilespmem:s29], [sflag:$0x4] =	stream.indirect_vreg.gather [hbm4b:s1+s3], $0x80, v4, vm0, $0xb8;
	[tilespmem:$0x1C800] =	vst v63  }
0xde: {  	_ = 	snop  }
0xdf: {  	[tilespmem:s30], [sflag:$0x4] =	stream.indirect_vreg.gather [hbm4b:s1+s3], $0x80, v3, vm0, $0xb8;
	[tilespmem:$0x1C800] =	vst v63  }
0xe0: {  	v3 =	vld [tilespmem:$0x100];
	_ =	sdelay $0x4  }
0xe1: {  	v16 =	vshll.u32 v3, $0x1  }
0xe2: {  	v3 =	vand.u32 $0x7, v3;
	v4 =	vand.u32 $0xFFFFFFF0, v16  }
0xe3: {  	v3 =	vor.u32 v3, v4  }
0xe4: {  	v4 =	vperm.xlane v3, v0;
	_ =	sdelay $0x1  }
0xe5: {  	v3 =	vperm.xlane v3, v2;
	v4 =	vadd.s32 v1, v4;
	_ =	sdelay $0x1  }
0xe6: {  	v3 =	vadd.s32 v1, v3;
	_ =	sdelay $0x1  }
0xe7: {  	s7 =	simm.s32 $0x10800  }
0xe8: {  	[tilespmem:s7], [sflag:$0x5] =	stream.indirect_vreg.gather [hbm4b:s1+s3], $0x80, v4, vm0, $0xb8;
	[tilespmem:$0x1C800] =	vst v63  }
0xe9: {  	s5 =	simm.s32 $0x11000  }
0xea: {  	[tilespmem:s5], [sflag:$0x5] =	stream.indirect_vreg.gather [hbm4b:s1+s3], $0x80, v3, vm0, $0xb8;
	[tilespmem:$0x1C800] =	vst v63  }
0xeb: {  	v3 =	vld [tilespmem:$0x110];
	_ =	sdelay $0x4  }
0xec: {  	v17 =	vshll.u32 v3, $0x1  }
0xed: {  	v3 =	vand.u32 $0x7, v3;
	v4 =	vand.u32 $0xFFFFFFF0, v17  }
0xee: {  	v3 =	vor.u32 v3, v4  }
0xef: {  	v4 =	vperm.xlane v3, v0;
	_ =	sdelay $0x1  }
0xf0: {  	v3 =	vperm.xlane v3, v2;
	v4 =	vadd.s32 v1, v4;
	_ =	sdelay $0x1  }
0xf1: {  	v3 =	vadd.s32 v1, v3;
	_ =	sdelay $0x1  }
0xf2: {  	s6 =	simm.s32 $0x11800  }
0xf3: {  	[tilespmem:s6], [sflag:$0x5] =	stream.indirect_vreg.gather [hbm4b:s1+s3], $0x80, v4, vm0, $0xb8;
	[tilespmem:$0x1C800] =	vst v63  }
0xf4: {  	s7 =	simm.s32 $0x12000  }
0xf5: {  	[tilespmem:s7], [sflag:$0x5] =	stream.indirect_vreg.gather [hbm4b:s1+s3], $0x80, v3, vm0, $0xb8;
	[tilespmem:$0x1C800] =	vst v63  }
0xf6: {  	v3 =	vld [tilespmem:$0x120];
	_ =	sdelay $0x4  }
0xf7: {  	v18 =	vshll.u32 v3, $0x1  }
0xf8: {  	v3 =	vand.u32 $0x7, v3;
	v4 =	vand.u32 $0xFFFFFFF0, v18  }
0xf9: {  	v3 =	vor.u32 v3, v4  }
0xfa: {  	v4 =	vperm.xlane v3, v0;
	_ =	sdelay $0x1  }
0xfb: {  	v3 =	vperm.xlane v3, v2;
	v4 =	vadd.s32 v1, v4;
	_ =	sdelay $0x1  }
0xfc: {  	v3 =	vadd.s32 v1, v3;
	_ =	sdelay $0x1  }
0xfd: {  	s5 =	simm.s32 $0x12800  }
0xfe: {  	[tilespmem:s5], [sflag:$0x5] =	stream.indirect_vreg.gather [hbm4b:s1+s3], $0x80, v4, vm0, $0xb8;
	[tilespmem:$0x1C800] =	vst v63  }
0xff: {  	s6 =	simm.s32 $0x13000  }
0x100: {  	[tilespmem:s6], [sflag:$0x5] =	stream.indirect_vreg.gather [hbm4b:s1+s3], $0x80, v3, vm0, $0xb8;
	[tilespmem:$0x1C800] =	vst v63  }
0x101: {  	v3 =	vld [tilespmem:$0x130];
	_ =	sdelay $0x4  }
0x102: {  	v19 =	vshll.u32 v3, $0x1  }
0x103: {  	v3 =	vand.u32 $0x7, v3;
	v4 =	vand.u32 $0xFFFFFFF0, v19  }
0x104: {  	v3 =	vor.u32 v3, v4  }
0x105: {  	v4 =	vperm.xlane v3, v0;
	_ =	sdelay $0x1  }
0x106: {  	v3 =	vperm.xlane v3, v2;
	v4 =	vadd.s32 v1, v4;
	_ =	sdelay $0x1  }
0x107: {  	v3 =	vadd.s32 v1, v3;
	_ =	sdelay $0x1  }
0x108: {  	s7 =	simm.s32 $0x13800  }
0x109: {  	[tilespmem:s7], [sflag:$0x5] =	stream.indirect_vreg.gather [hbm4b:s1+s3], $0x80, v4, vm0, $0xb8;
	[tilespmem:$0x1C800] =	vst v63  }
0x10a: {  	s5 =	simm.s32 $0x14000  }
0x10b: {  	[tilespmem:s5], [sflag:$0x5] =	stream.indirect_vreg.gather [hbm4b:s1+s3], $0x80, v3, vm0, $0xb8;
	[tilespmem:$0x1C800] =	vst v63  }
0x10c: {  	v3 =	vld [tilespmem:$0x140];
	_ =	sdelay $0x4  }
0x10d: {  	v20 =	vshll.u32 v3, $0x1  }
0x10e: {  	v3 =	vand.u32 $0x7, v3;
	v4 =	vand.u32 $0xFFFFFFF0, v20  }
0x10f: {  	v3 =	vor.u32 v3, v4  }
0x110: {  	v4 =	vperm.xlane v3, v0;
	_ =	sdelay $0x1  }
0x111: {  	v3 =	vperm.xlane v3, v2;
	v4 =	vadd.s32 v1, v4;
	_ =	sdelay $0x1  }
0x112: {  	v3 =	vadd.s32 v1, v3;
	_ =	sdelay $0x1  }
0x113: {  	s7 =	simm.s32 $0x14800  }
0x114: {  	[tilespmem:s7], [sflag:$0x6] =	stream.indirect_vreg.gather [hbm4b:s1+s3], $0x80, v4, vm0, $0xb8;
	[tilespmem:$0x1C800] =	vst v63  }
0x115: {  	s6 =	simm.s32 $0x15000  }
0x116: {  	[tilespmem:s6], [sflag:$0x6] =	stream.indirect_vreg.gather [hbm4b:s1+s3], $0x80, v3, vm0, $0xb8;
	[tilespmem:$0x1C800] =	vst v63  }
0x117: {  	v3 =	vld [tilespmem:$0x150];
	_ =	sdelay $0x4  }
0x118: {  	v21 =	vshll.u32 v3, $0x1  }
0x119: {  	v3 =	vand.u32 $0x7, v3;
	v4 =	vand.u32 $0xFFFFFFF0, v21  }
0x11a: {  	v3 =	vor.u32 v3, v4  }
0x11b: {  	v4 =	vperm.xlane v3, v0;
	_ =	sdelay $0x1  }
0x11c: {  	v3 =	vperm.xlane v3, v2;
	v4 =	vadd.s32 v1, v4;
	_ =	sdelay $0x1  }
0x11d: {  	v3 =	vadd.s32 v1, v3;
	_ =	sdelay $0x1  }
0x11e: {  	s5 =	simm.s32 $0x15800  }
0x11f: {  	[tilespmem:s5], [sflag:$0x6] =	stream.indirect_vreg.gather [hbm4b:s1+s3], $0x80, v4, vm0, $0xb8;
	[tilespmem:$0x1C800] =	vst v63  }
0x120: {  	s6 =	simm.s32 $0x16000  }
0x121: {  	[tilespmem:s6], [sflag:$0x6] =	stream.indirect_vreg.gather [hbm4b:s1+s3], $0x80, v3, vm0, $0xb8;
	[tilespmem:$0x1C800] =	vst v63  }
0x122: {  	v3 =	vld [tilespmem:$0x160];
	_ =	sdelay $0x4  }
0x123: {  	v22 =	vshll.u32 v3, $0x1  }
0x124: {  	v3 =	vand.u32 $0x7, v3;
	v4 =	vand.u32 $0xFFFFFFF0, v22  }
0x125: {  	v3 =	vor.u32 v3, v4  }
0x126: {  	v4 =	vperm.xlane v3, v0;
	_ =	sdelay $0x1  }
0x127: {  	v3 =	vperm.xlane v3, v2;
	v4 =	vadd.s32 v1, v4;
	_ =	sdelay $0x1  }
0x128: {  	v3 =	vadd.s32 v1, v3;
	_ =	sdelay $0x1  }
0x129: {  	s5 =	simm.s32 $0x16800  }
0x12a: {  	[tilespmem:s5], [sflag:$0x6] =	stream.indirect_vreg.gather [hbm4b:s1+s3], $0x80, v4, vm0, $0xb8;
	[tilespmem:$0x1C800] =	vst v63  }
0x12b: {  	s6 =	simm.s32 $0x17000  }
0x12c: {  	[tilespmem:s6], [sflag:$0x6] =	stream.indirect_vreg.gather [hbm4b:s1+s3], $0x80, v3, vm0, $0xb8;
	[tilespmem:$0x1C800] =	vst v63  }
0x12d: {  	v3 =	vld [tilespmem:$0x170];
	_ =	sdelay $0x4  }
0x12e: {  	v23 =	vshll.u32 v3, $0x1  }
0x12f: {  	v3 =	vand.u32 $0x7, v3;
	v4 =	vand.u32 $0xFFFFFFF0, v23  }
0x130: {  	v3 =	vor.u32 v3, v4  }
0x131: {  	v4 =	vperm.xlane v3, v0;
	_ =	sdelay $0x1  }
0x132: {  	v3 =	vperm.xlane v3, v2;
	v4 =	vadd.s32 v1, v4;
	_ =	sdelay $0x1  }
0x133: {  	v3 =	vadd.s32 v1, v3;
	_ =	sdelay $0x1  }
0x134: {  	s5 =	simm.s32 $0x17800  }
0x135: {  	[tilespmem:s5], [sflag:$0x6] =	stream.indirect_vreg.gather [hbm4b:s1+s3], $0x80, v4, vm0, $0xb8;
	[tilespmem:$0x1C800] =	vst v63  }
0x136: {  	s6 =	simm.s32 $0x18000  }
0x137: {  	[tilespmem:s6], [sflag:$0x6] =	stream.indirect_vreg.gather [hbm4b:s1+s3], $0x80, v3, vm0, $0xb8;
	[tilespmem:$0x1C800] =	vst v63  }
0x138: {  	v3 =	vld [tilespmem:$0x180];
	_ =	sdelay $0x4  }
0x139: {  	v24 =	vshll.u32 v3, $0x1  }
0x13a: {  	v3 =	vand.u32 $0x7, v3;
	v4 =	vand.u32 $0xFFFFFFF0, v24  }
0x13b: {  	v3 =	vor.u32 v3, v4  }
0x13c: {  	v4 =	vperm.xlane v3, v0;
	_ =	sdelay $0x1  }
0x13d: {  	v3 =	vperm.xlane v3, v2;
	v4 =	vadd.s32 v1, v4;
	_ =	sdelay $0x1  }
0x13e: {  	v3 =	vadd.s32 v1, v3;
	_ =	sdelay $0x1  }
0x13f: {  	s6 =	simm.s32 $0x18800  }
0x140: {  	[tilespmem:s6], [sflag:$0x7] =	stream.indirect_vreg.gather [hbm4b:s1+s3], $0x80, v4, vm0, $0xb8;
	[tilespmem:$0x1C800] =	vst v63  }
0x141: {  	s5 =	simm.s32 $0x19000  }
0x142: {  	[tilespmem:s5], [sflag:$0x7] =	stream.indirect_vreg.gather [hbm4b:s1+s3], $0x80, v3, vm0, $0xb8;
	[tilespmem:$0x1C800] =	vst v63  }
0x143: {  	v3 =	vld [tilespmem:$0x190];
	_ =	sdelay $0x4  }
0x144: {  	v25 =	vshll.u32 v3, $0x1  }
0x145: {  	v3 =	vand.u32 $0x7, v3;
	v4 =	vand.u32 $0xFFFFFFF0, v25  }
0x146: {  	v3 =	vor.u32 v3, v4  }
0x147: {  	v4 =	vperm.xlane v3, v0;
	_ =	sdelay $0x1  }
0x148: {  	v3 =	vperm.xlane v3, v2;
	v4 =	vadd.s32 v1, v4;
	_ =	sdelay $0x1  }
0x149: {  	v3 =	vadd.s32 v1, v3;
	_ =	sdelay $0x1  }
0x14a: {  	s5 =	simm.s32 $0x19800  }
0x14b: {  	[tilespmem:s5], [sflag:$0x7] =	stream.indirect_vreg.gather [hbm4b:s1+s3], $0x80, v4, vm0, $0xb8;
	[tilespmem:$0x1C800] =	vst v63  }
0x14c: {  	s5 =	simm.s32 $0x1A000  }
0x14d: {  	[tilespmem:s5], [sflag:$0x7] =	stream.indirect_vreg.gather [hbm4b:s1+s3], $0x80, v3, vm0, $0xb8;
	[tilespmem:$0x1C800] =	vst v63  }
0x14e: {  	v3 =	vld [tilespmem:$0x1A0];
	_ =	sdelay $0x4  }
0x14f: {  	v26 =	vshll.u32 v3, $0x1  }
0x150: {  	v3 =	vand.u32 $0x7, v3;
	v4 =	vand.u32 $0xFFFFFFF0, v26  }
0x151: {  	v3 =	vor.u32 v3, v4  }
0x152: {  	v4 =	vperm.xlane v3, v0;
	_ =	sdelay $0x1  }
0x153: {  	v3 =	vperm.xlane v3, v2;
	v4 =	vadd.s32 v1, v4;
	_ =	sdelay $0x1  }
0x154: {  	v3 =	vadd.s32 v1, v3;
	_ =	sdelay $0x1  }
0x155: {  	s5 =	simm.s32 $0x1A800  }
0x156: {  	[tilespmem:s5], [sflag:$0x7] =	stream.indirect_vreg.gather [hbm4b:s1+s3], $0x80, v4, vm0, $0xb8;
	[tilespmem:$0x1C800] =	vst v63  }
0x157: {  	s5 =	simm.s32 $0x1B000  }
0x158: {  	[tilespmem:s5], [sflag:$0x7] =	stream.indirect_vreg.gather [hbm4b:s1+s3], $0x80, v3, vm0, $0xb8;
	[tilespmem:$0x1C800] =	vst v63  }
0x159: {  	v3 =	vld [tilespmem:$0x1B0];
	_ =	sdelay $0x4  }
0x15a: {  	v27 =	vshll.u32 v3, $0x1  }
0x15b: {  	v3 =	vand.u32 $0x7, v3;
	v4 =	vand.u32 $0xFFFFFFF0, v27  }
0x15c: {  	v3 =	vor.u32 v3, v4  }
0x15d: {  	v4 =	vperm.xlane v3, v0;
	_ =	sdelay $0x1  }
0x15e: {  	v3 =	vperm.xlane v3, v2;
	v4 =	vadd.s32 v1, v4;
	_ =	sdelay $0x1  }
0x15f: {  	v3 =	vadd.s32 v1, v3;
	_ =	sdelay $0x1  }
0x160: {  	s5 =	simm.s32 $0x1B800  }
0x161: {  	[tilespmem:s5], [sflag:$0x7] =	stream.indirect_vreg.gather [hbm4b:s1+s3], $0x80, v4, vm0, $0xb8;
	[tilespmem:$0x1C800] =	vst v63  }
0x162: {  	s5 =	simm.s32 $0x1C000  }
0x163: {  	[tilespmem:s5], [sflag:$0x7] =	stream.indirect_vreg.gather [hbm4b:s1+s3], $0x80, v3, vm0, $0xb8;
	[tilespmem:$0x1C800] =	vst v63  }
0x164: {  	_ =	swait.ge [sflag:s21], $0x4000  }
0x165: {  	[sflag:s21] =	ssyncset.done $0x0  }
0x166: {  	s0 =	rddreg [dreg:$0x5];
	[sflag:s21] =	ssyncadd.s32 $0xFFFFC000  }
0x167: {  	[hbm4b:s0+s3] =	stream.linear.scatter [tilespmem:s24], [sflag:$0x8], $0x4000, $0x38;
	[tilespmem:$0x1C800] =	vst v63  }
0x168: {  	_ =	swait.ge [sflag:s17], $0x4000  }
0x169: {  	[sflag:s17] =	ssyncset.done $0x0  }
0x16a: {  	s0 =	rddreg [dreg:$0x6];
	[sflag:s17] =	ssyncadd.s32 $0xFFFFC000  }
0x16b: {  	[hbm4b:s0+s3] =	stream.linear.scatter [tilespmem:s18], [sflag:$0x9], $0x4000, $0x38;
	[tilespmem:$0x1C800] =	vst v63  }
0x16c: {  	s0 =	simm.s32 $0x3  }
0x16d: {  	_ =	swait.ge [sflag:s0], $0x4000  }
0x16e: {  	[sflag:s0] =	ssyncset.done $0x0  }
0x16f: {  	s5 =	rddreg [dreg:$0x7];
	[sflag:s0] =	ssyncadd.s32 $0xFFFFC000  }
0x170: {  	[hbm4b:s5+s3] =	stream.linear.scatter [tilespmem:s23], [sflag:$0xA], $0x4000, $0x38;
	[tilespmem:$0x1C800] =	vst v63  }
0x171: {  	_ =	swait.ge [sflag:s20], $0x4000  }
0x172: {  	[sflag:s20] =	ssyncset.done $0x0  }
0x173: {  	[sflag:s20] =	ssyncadd.s32 $0xFFFFC000  }
0x174: {  	v3 =	vld [tilespmem:$0x1C0];
	_ =	sdelay $0x4  }
0x175: {  	v28 =	vshll.u32 v3, $0x1  }
0x176: {  	v3 =	vand.u32 $0x7, v3;
	v4 =	vand.u32 $0xFFFFFFF0, v28  }
0x177: {  	v3 =	vor.u32 v3, v4  }
0x178: {  	v4 =	vperm.xlane v3, v0;
	_ =	sdelay $0x1  }
0x179: {  	v3 =	vperm.xlane v3, v2;
	v4 =	vadd.s32 v1, v4;
	_ =	sdelay $0x1  }
0x17a: {  	v3 =	vadd.s32 v1, v3;
	_ =	sdelay $0x2  }
0x17b: {  	[tilespmem:s24], [sflag:$0x1] =	stream.indirect_vreg.gather [hbm4b:s1+s3], $0x80, v4, vm0, $0xb8;
	[tilespmem:$0x1C800] =	vst v63  }
0x17c: {  	s2 =	simm.s32 $0x1000  }
0x17d: {  	[tilespmem:s2], [sflag:$0x1] =	stream.indirect_vreg.gather [hbm4b:s1+s3], $0x80, v3, vm0, $0xb8;
	[tilespmem:$0x1C800] =	vst v63  }
0x17e: {  	v3 =	vld [tilespmem:$0x1D0];
	_ =	sdelay $0x4  }
0x17f: {  	v29 =	vshll.u32 v3, $0x1  }
0x180: {  	v3 =	vand.u32 $0x7, v3;
	v4 =	vand.u32 $0xFFFFFFF0, v29  }
0x181: {  	v3 =	vor.u32 v3, v4  }
0x182: {  	v4 =	vperm.xlane v3, v0;
	_ =	sdelay $0x1  }
0x183: {  	v3 =	vperm.xlane v3, v2;
	v4 =	vadd.s32 v1, v4;
	_ =	sdelay $0x1  }
0x184: {  	v3 =	vadd.s32 v1, v3;
	_ =	sdelay $0x1  }
0x185: {  	s5 =	simm.s32 $0x1800  }
0x186: {  	[tilespmem:s5], [sflag:$0x1] =	stream.indirect_vreg.gather [hbm4b:s1+s3], $0x80, v4, vm0, $0xb8;
	[tilespmem:$0x1C800] =	vst v63  }
0x187: {  	s15 =	simm.s32 $0x2000  }
0x188: {  	[tilespmem:s15], [sflag:$0x1] =	stream.indirect_vreg.gather [hbm4b:s1+s3], $0x80, v3, vm0, $0xb8;
	[tilespmem:$0x1C800] =	vst v63  }
0x189: {  	v3 =	vld [tilespmem:$0x1E0];
	_ =	sdelay $0x4  }
0x18a: {  	v30 =	vshll.u32 v3, $0x1  }
0x18b: {  	v3 =	vand.u32 $0x7, v3;
	v4 =	vand.u32 $0xFFFFFFF0, v30  }
0x18c: {  	v3 =	vor.u32 v3, v4  }
0x18d: {  	v4 =	vperm.xlane v3, v0;
	_ =	sdelay $0x1  }
0x18e: {  	v3 =	vperm.xlane v3, v2;
	v4 =	vadd.s32 v1, v4;
	_ =	sdelay $0x1  }
0x18f: {  	v3 =	vadd.s32 v1, v3;
	_ =	sdelay $0x1  }
0x190: {  	s15 =	simm.s32 $0x2800  }
0x191: {  	[tilespmem:s15], [sflag:$0x1] =	stream.indirect_vreg.gather [hbm4b:s1+s3], $0x80, v4, vm0, $0xb8;
	[tilespmem:$0x1C800] =	vst v63  }
0x192: {  	s31 =	simm.s32 $0x3000  }
0x193: {  	[tilespmem:s31], [sflag:$0x1] =	stream.indirect_vreg.gather [hbm4b:s1+s3], $0x80, v3, vm0, $0xb8;
	[tilespmem:$0x1C800] =	vst v63  }
0x194: {  	v3 =	vld [tilespmem:$0x1F0];
	_ =	sdelay $0x4  }
0x195: {  	v31 =	vshll.u32 v3, $0x1  }
0x196: {  	v3 =	vand.u32 $0x7, v3;
	v4 =	vand.u32 $0xFFFFFFF0, v31  }
0x197: {  	v3 =	vor.u32 v3, v4  }
0x198: {  	v4 =	vperm.xlane v3, v0;
	_ =	sdelay $0x1  }
0x199: {  	v3 =	vperm.xlane v3, v2;
	v4 =	vadd.s32 v1, v4;
	_ =	sdelay $0x1  }
0x19a: {  	v3 =	vadd.s32 v1, v3;
	_ =	sdelay $0x1  }
0x19b: {  	s5 =	simm.s32 $0x3800  }
0x19c: {  	[tilespmem:s5], [sflag:$0x1] =	stream.indirect_vreg.gather [hbm4b:s1+s3], $0x80, v4, vm0, $0xb8;
	[tilespmem:$0x1C800] =	vst v63  }
0x19d: {  	s2 =	simm.s32 $0x4;
	s15 =	simm.s32 $0x4000  }
0x19e: {  	[tilespmem:s15], [sflag:$0x1] =	stream.indirect_vreg.gather [hbm4b:s1+s3], $0x80, v3, vm0, $0xb8;
	[tilespmem:$0x1C800] =	vst v63  }
0x19f: {  	_ =	swait.ge [sflag:s2], $0x4000  }
0x1a0: {  	[sflag:s2] =	ssyncset.done $0x0  }
0x1a1: {  	s31 =	rddreg [dreg:$0x8];
	[sflag:s2] =	ssyncadd.s32 $0xFFFFC000  }
0x1a2: {  	[hbm4b:s31+s3] =	stream.linear.scatter [tilespmem:s19], [sflag:$0xB], $0x4000, $0x38;
	[tilespmem:$0x1C800] =	vst v63  }
0x1a3: {  	_ =	swait.ge [sflag:s22], $0x4000  }
0x1a4: {  	[sflag:s22] =	ssyncset.done $0x0  }
0x1a5: {  	[sflag:s22] =	ssyncadd.s32 $0xFFFFC000  }
0x1a6: {  	v3 =	vld [tilespmem:$0x200];
	_ =	sdelay $0x4  }
0x1a7: {  	v32 =	vshll.u32 v3, $0x1  }
0x1a8: {  	v3 =	vand.u32 $0x7, v3;
	v4 =	vand.u32 $0xFFFFFFF0, v32  }
0x1a9: {  	v3 =	vor.u32 v3, v4  }
0x1aa: {  	v4 =	vperm.xlane v3, v0;
	_ =	sdelay $0x1  }
0x1ab: {  	v3 =	vperm.xlane v3, v2;
	v4 =	vadd.s32 v1, v4;
	_ =	sdelay $0x1  }
0x1ac: {  	v3 =	vadd.s32 v1, v3;
	_ =	sdelay $0x2  }
0x1ad: {  	[tilespmem:s18], [sflag:$0x2] =	stream.indirect_vreg.gather [hbm4b:s1+s3], $0x80, v4, vm0, $0xb8;
	[tilespmem:$0x1C800] =	vst v63  }
0x1ae: {  	s15 =	simm.s32 $0x5000  }
0x1af: {  	[tilespmem:s15], [sflag:$0x2] =	stream.indirect_vreg.gather [hbm4b:s1+s3], $0x80, v3, vm0, $0xb8;
	[tilespmem:$0x1C800] =	vst v63  }
0x1b0: {  	v3 =	vld [tilespmem:$0x210];
	_ =	sdelay $0x4  }
0x1b1: {  	v33 =	vshll.u32 v3, $0x1  }
0x1b2: {  	v3 =	vand.u32 $0x7, v3;
	v4 =	vand.u32 $0xFFFFFFF0, v33  }
0x1b3: {  	v3 =	vor.u32 v3, v4  }
0x1b4: {  	v4 =	vperm.xlane v3, v0;
	_ =	sdelay $0x1  }
0x1b5: {  	v3 =	vperm.xlane v3, v2;
	v4 =	vadd.s32 v1, v4;
	_ =	sdelay $0x1  }
0x1b6: {  	v3 =	vadd.s32 v1, v3;
	_ =	sdelay $0x1  }
0x1b7: {  	s31 =	simm.s32 $0x5800  }
0x1b8: {  	[tilespmem:s31], [sflag:$0x2] =	stream.indirect_vreg.gather [hbm4b:s1+s3], $0x80, v4, vm0, $0xb8;
	[tilespmem:$0x1C800] =	vst v63  }
0x1b9: {  	s15 =	simm.s32 $0x6000  }
0x1ba: {  	[tilespmem:s15], [sflag:$0x2] =	stream.indirect_vreg.gather [hbm4b:s1+s3], $0x80, v3, vm0, $0xb8;
	[tilespmem:$0x1C800] =	vst v63  }
0x1bb: {  	v3 =	vld [tilespmem:$0x220];
	_ =	sdelay $0x4  }
0x1bc: {  	v34 =	vshll.u32 v3, $0x1  }
0x1bd: {  	v3 =	vand.u32 $0x7, v3;
	v4 =	vand.u32 $0xFFFFFFF0, v34  }
0x1be: {  	v3 =	vor.u32 v3, v4  }
0x1bf: {  	v4 =	vperm.xlane v3, v0;
	_ =	sdelay $0x1  }
0x1c0: {  	v3 =	vperm.xlane v3, v2;
	v4 =	vadd.s32 v1, v4;
	_ =	sdelay $0x1  }
0x1c1: {  	v3 =	vadd.s32 v1, v3;
	_ =	sdelay $0x1  }
0x1c2: {  	s31 =	simm.s32 $0x6800  }
0x1c3: {  	[tilespmem:s31], [sflag:$0x2] =	stream.indirect_vreg.gather [hbm4b:s1+s3], $0x80, v4, vm0, $0xb8;
	[tilespmem:$0x1C800] =	vst v63  }
0x1c4: {  	s15 =	simm.s32 $0x7000  }
0x1c5: {  	[tilespmem:s15], [sflag:$0x2] =	stream.indirect_vreg.gather [hbm4b:s1+s3], $0x80, v3, vm0, $0xb8;
	[tilespmem:$0x1C800] =	vst v63  }
0x1c6: {  	v3 =	vld [tilespmem:$0x230];
	_ =	sdelay $0x4  }
0x1c7: {  	v35 =	vshll.u32 v3, $0x1  }
0x1c8: {  	v3 =	vand.u32 $0x7, v3;
	v4 =	vand.u32 $0xFFFFFFF0, v35  }
0x1c9: {  	v3 =	vor.u32 v3, v4  }
0x1ca: {  	v4 =	vperm.xlane v3, v0;
	_ =	sdelay $0x1  }
0x1cb: {  	v3 =	vperm.xlane v3, v2;
	v4 =	vadd.s32 v1, v4;
	_ =	sdelay $0x1  }
0x1cc: {  	v3 =	vadd.s32 v1, v3;
	_ =	sdelay $0x1  }
0x1cd: {  	s31 =	simm.s32 $0x7800  }
0x1ce: {  	[tilespmem:s31], [sflag:$0x2] =	stream.indirect_vreg.gather [hbm4b:s1+s3], $0x80, v4, vm0, $0xb8;
	[tilespmem:$0x1C800] =	vst v63  }
0x1cf: {  	s15 =	simm.s32 $0x8000  }
0x1d0: {  	[tilespmem:s15], [sflag:$0x2] =	stream.indirect_vreg.gather [hbm4b:s1+s3], $0x80, v3, vm0, $0xb8;
	[tilespmem:$0x1C800] =	vst v63  }
0x1d1: {  	s15 =	simm.s32 $0x5  }
0x1d2: {  	_ =	swait.ge [sflag:s15], $0x4000  }
0x1d3: {  	[sflag:s15] =	ssyncset.done $0x0  }
0x1d4: {  	s31 =	rddreg [dreg:$0x9];
	[sflag:s15] =	ssyncadd.s32 $0xFFFFC000  }
0x1d5: {  	[hbm4b:s31+s3] =	stream.linear.scatter [tilespmem:s12], [sflag:$0xC], $0x4000, $0x38;
	[tilespmem:$0x1C800] =	vst v63  }
0x1d6: {  	s31 =	simm.s32 $0xA  }
0x1d7: {  	_ =	swait.ge [sflag:s31], $0x4000  }
0x1d8: {  	[sflag:s31] =	ssyncset.done $0x0  }
0x1d9: {  	[sflag:s31] =	ssyncadd.s32 $0xFFFFC000  }
0x1da: {  	v3 =	vld [tilespmem:$0x240];
	_ =	sdelay $0x4  }
0x1db: {  	v36 =	vshll.u32 v3, $0x1  }
0x1dc: {  	v3 =	vand.u32 $0x7, v3;
	v4 =	vand.u32 $0xFFFFFFF0, v36  }
0x1dd: {  	v3 =	vor.u32 v3, v4  }
0x1de: {  	v4 =	vperm.xlane v3, v0;
	_ =	sdelay $0x1  }
0x1df: {  	v3 =	vperm.xlane v3, v2;
	v4 =	vadd.s32 v1, v4;
	_ =	sdelay $0x1  }
0x1e0: {  	v3 =	vadd.s32 v1, v3;
	_ =	sdelay $0x2  }
0x1e1: {  	[tilespmem:s23], [sflag:$0x3] =	stream.indirect_vreg.gather [hbm4b:s1+s3], $0x80, v4, vm0, $0xb8;
	[tilespmem:$0x1C800] =	vst v63  }
0x1e2: {  	_ = 	snop  }
0x1e3: {  	[tilespmem:s13], [sflag:$0x3] =	stream.indirect_vreg.gather [hbm4b:s1+s3], $0x80, v3, vm0, $0xb8;
	[tilespmem:$0x1C800] =	vst v63  }
0x1e4: {  	v3 =	vld [tilespmem:$0x250];
	_ =	sdelay $0x4  }
0x1e5: {  	v37 =	vshll.u32 v3, $0x1  }
0x1e6: {  	v3 =	vand.u32 $0x7, v3;
	v4 =	vand.u32 $0xFFFFFFF0, v37  }
0x1e7: {  	v3 =	vor.u32 v3, v4  }
0x1e8: {  	v4 =	vperm.xlane v3, v0;
	_ =	sdelay $0x1  }
0x1e9: {  	v3 =	vperm.xlane v3, v2;
	v4 =	vadd.s32 v1, v4;
	_ =	sdelay $0x1  }
0x1ea: {  	v3 =	vadd.s32 v1, v3;
	_ =	sdelay $0x2  }
0x1eb: {  	[tilespmem:s14], [sflag:$0x3] =	stream.indirect_vreg.gather [hbm4b:s1+s3], $0x80, v4, vm0, $0xb8;
	[tilespmem:$0x1C800] =	vst v63  }
0x1ec: {  	_ = 	snop  }
0x1ed: {  	[tilespmem:s16], [sflag:$0x3] =	stream.indirect_vreg.gather [hbm4b:s1+s3], $0x80, v3, vm0, $0xb8;
	[tilespmem:$0x1C800] =	vst v63  }
0x1ee: {  	v3 =	vld [tilespmem:$0x260];
	_ =	sdelay $0x4  }
0x1ef: {  	v38 =	vshll.u32 v3, $0x1  }
0x1f0: {  	v3 =	vand.u32 $0x7, v3;
	v4 =	vand.u32 $0xFFFFFFF0, v38  }
0x1f1: {  	v3 =	vor.u32 v3, v4  }
0x1f2: {  	v4 =	vperm.xlane v3, v0;
	_ =	sdelay $0x1  }
0x1f3: {  	v3 =	vperm.xlane v3, v2;
	v4 =	vadd.s32 v1, v4;
	_ =	sdelay $0x1  }
0x1f4: {  	v3 =	vadd.s32 v1, v3;
	_ =	sdelay $0x2  }
0x1f5: {  	[tilespmem:s8], [sflag:$0x3] =	stream.indirect_vreg.gather [hbm4b:s1+s3], $0x80, v4, vm0, $0xb8;
	[tilespmem:$0x1C800] =	vst v63  }
0x1f6: {  	_ = 	snop  }
0x1f7: {  	[tilespmem:s9], [sflag:$0x3] =	stream.indirect_vreg.gather [hbm4b:s1+s3], $0x80, v3, vm0, $0xb8;
	[tilespmem:$0x1C800] =	vst v63  }
0x1f8: {  	v3 =	vld [tilespmem:$0x270];
	_ =	sdelay $0x4  }
0x1f9: {  	v39 =	vshll.u32 v3, $0x1  }
0x1fa: {  	v3 =	vand.u32 $0x7, v3;
	v4 =	vand.u32 $0xFFFFFFF0, v39  }
0x1fb: {  	v3 =	vor.u32 v3, v4  }
0x1fc: {  	v4 =	vperm.xlane v3, v0;
	_ =	sdelay $0x1  }
0x1fd: {  	v3 =	vperm.xlane v3, v2;
	v4 =	vadd.s32 v1, v4;
	_ =	sdelay $0x1  }
0x1fe: {  	v3 =	vadd.s32 v1, v3;
	_ =	sdelay $0x2  }
0x1ff: {  	[tilespmem:s10], [sflag:$0x3] =	stream.indirect_vreg.gather [hbm4b:s1+s3], $0x80, v4, vm0, $0xb8;
	[tilespmem:$0x1C800] =	vst v63  }
0x200: {  	s8 =	simm.s32 $0x6  }
0x201: {  	[tilespmem:s11], [sflag:$0x3] =	stream.indirect_vreg.gather [hbm4b:s1+s3], $0x80, v3, vm0, $0xb8;
	[tilespmem:$0x1C800] =	vst v63  }
0x202: {  	_ =	swait.ge [sflag:s8], $0x4000  }
0x203: {  	[sflag:s8] =	ssyncset.done $0x0  }
0x204: {  	s9 =	rddreg [dreg:$0xa];
	[sflag:s8] =	ssyncadd.s32 $0xFFFFC000  }
0x205: {  	[hbm4b:s9+s3] =	stream.linear.scatter [tilespmem:s7], [sflag:$0xD], $0x4000, $0x38;
	[tilespmem:$0x1C800] =	vst v63  }
0x206: {  	s9 =	simm.s32 $0xB  }
0x207: {  	_ =	swait.ge [sflag:s9], $0x4000  }
0x208: {  	[sflag:s9] =	ssyncset.done $0x0  }
0x209: {  	[sflag:s9] =	ssyncadd.s32 $0xFFFFC000  }
0x20a: {  	v3 =	vld [tilespmem:$0x280];
	_ =	sdelay $0x4  }
0x20b: {  	v40 =	vshll.u32 v3, $0x1  }
0x20c: {  	v3 =	vand.u32 $0x7, v3;
	v4 =	vand.u32 $0xFFFFFFF0, v40  }
0x20d: {  	v3 =	vor.u32 v3, v4  }
0x20e: {  	v4 =	vperm.xlane v3, v0;
	_ =	sdelay $0x1  }
0x20f: {  	v3 =	vperm.xlane v3, v2;
	v4 =	vadd.s32 v1, v4;
	_ =	sdelay $0x1  }
0x210: {  	v3 =	vadd.s32 v1, v3;
	_ =	sdelay $0x2  }
0x211: {  	[tilespmem:s19], [sflag:$0x4] =	stream.indirect_vreg.gather [hbm4b:s1+s3], $0x80, v4, vm0, $0xb8;
	[tilespmem:$0x1C800] =	vst v63  }
0x212: {  	_ = 	snop  }
0x213: {  	[tilespmem:s25], [sflag:$0x4] =	stream.indirect_vreg.gather [hbm4b:s1+s3], $0x80, v3, vm0, $0xb8;
	[tilespmem:$0x1C800] =	vst v63  }
0x214: {  	v3 =	vld [tilespmem:$0x290];
	_ =	sdelay $0x4  }
0x215: {  	v41 =	vshll.u32 v3, $0x1  }
0x216: {  	v3 =	vand.u32 $0x7, v3;
	v4 =	vand.u32 $0xFFFFFFF0, v41  }
0x217: {  	v3 =	vor.u32 v3, v4  }
0x218: {  	v4 =	vperm.xlane v3, v0;
	_ =	sdelay $0x1  }
0x219: {  	v3 =	vperm.xlane v3, v2;
	v4 =	vadd.s32 v1, v4;
	_ =	sdelay $0x1  }
0x21a: {  	v3 =	vadd.s32 v1, v3;
	_ =	sdelay $0x1  }
0x21b: {  	s10 =	simm.s32 $0xD800  }
0x21c: {  	[tilespmem:s10], [sflag:$0x4] =	stream.indirect_vreg.gather [hbm4b:s1+s3], $0x80, v4, vm0, $0xb8;
	[tilespmem:$0x1C800] =	vst v63  }
0x21d: {  	s11 =	simm.s32 $0xE000  }
0x21e: {  	[tilespmem:s11], [sflag:$0x4] =	stream.indirect_vreg.gather [hbm4b:s1+s3], $0x80, v3, vm0, $0xb8;
	[tilespmem:$0x1C800] =	vst v63  }
0x21f: {  	v3 =	vld [tilespmem:$0x2A0];
	_ =	sdelay $0x4  }
0x220: {  	v42 =	vshll.u32 v3, $0x1  }
0x221: {  	v3 =	vand.u32 $0x7, v3;
	v4 =	vand.u32 $0xFFFFFFF0, v42  }
0x222: {  	v3 =	vor.u32 v3, v4  }
0x223: {  	v4 =	vperm.xlane v3, v0;
	_ =	sdelay $0x1  }
0x224: {  	v3 =	vperm.xlane v3, v2;
	v4 =	vadd.s32 v1, v4;
	_ =	sdelay $0x1  }
0x225: {  	v3 =	vadd.s32 v1, v3;
	_ =	sdelay $0x2  }
0x226: {  	[tilespmem:s26], [sflag:$0x4] =	stream.indirect_vreg.gather [hbm4b:s1+s3], $0x80, v4, vm0, $0xb8;
	[tilespmem:$0x1C800] =	vst v63  }
0x227: {  	_ = 	snop  }
0x228: {  	[tilespmem:s28], [sflag:$0x4] =	stream.indirect_vreg.gather [hbm4b:s1+s3], $0x80, v3, vm0, $0xb8;
	[tilespmem:$0x1C800] =	vst v63  }
0x229: {  	v3 =	vld [tilespmem:$0x2B0];
	_ =	sdelay $0x4  }
0x22a: {  	v43 =	vshll.u32 v3, $0x1  }
0x22b: {  	v3 =	vand.u32 $0x7, v3;
	v4 =	vand.u32 $0xFFFFFFF0, v43  }
0x22c: {  	v3 =	vor.u32 v3, v4  }
0x22d: {  	v4 =	vperm.xlane v3, v0;
	_ =	sdelay $0x1  }
0x22e: {  	v3 =	vperm.xlane v3, v2;
	v4 =	vadd.s32 v1, v4;
	_ =	sdelay $0x1  }
0x22f: {  	v3 =	vadd.s32 v1, v3;
	_ =	sdelay $0x2  }
0x230: {  	[tilespmem:s29], [sflag:$0x4] =	stream.indirect_vreg.gather [hbm4b:s1+s3], $0x80, v4, vm0, $0xb8;
	[tilespmem:$0x1C800] =	vst v63  }
0x231: {  	s10 =	simm.s32 $0x7  }
0x232: {  	[tilespmem:s30], [sflag:$0x4] =	stream.indirect_vreg.gather [hbm4b:s1+s3], $0x80, v3, vm0, $0xb8;
	[tilespmem:$0x1C800] =	vst v63  }
0x233: {  	_ =	swait.ge [sflag:s10], $0x4000  }
0x234: {  	[sflag:s10] =	ssyncset.done $0x0  }
0x235: {  	s11 =	simm.s32 $0xC;
	s13 =	rddreg [dreg:$0xb];
	[sflag:s10] =	ssyncadd.s32 $0xFFFFC000  }
0x236: {  	[hbm4b:s13+s3] =	stream.linear.scatter [tilespmem:s6], [sflag:$0xE], $0x4000, $0x38;
	[tilespmem:$0x1C800] =	vst v63  }
0x237: {  	_ =	swait.ge [sflag:s11], $0x4000  }
0x238: {  	[sflag:s11] =	ssyncset.done $0x0  }
0x239: {  	[sflag:s11] =	ssyncadd.s32 $0xFFFFC000  }
0x23a: {  	v3 =	vld [tilespmem:$0x2C0];
	_ =	sdelay $0x4  }
0x23b: {  	v44 =	vshll.u32 v3, $0x1  }
0x23c: {  	v3 =	vand.u32 $0x7, v3;
	v4 =	vand.u32 $0xFFFFFFF0, v44  }
0x23d: {  	v3 =	vor.u32 v3, v4  }
0x23e: {  	v4 =	vperm.xlane v3, v0;
	_ =	sdelay $0x1  }
0x23f: {  	v3 =	vperm.xlane v3, v2;
	v4 =	vadd.s32 v1, v4;
	_ =	sdelay $0x1  }
0x240: {  	v3 =	vadd.s32 v1, v3;
	_ =	sdelay $0x2  }
0x241: {  	[tilespmem:s12], [sflag:$0x5] =	stream.indirect_vreg.gather [hbm4b:s1+s3], $0x80, v4, vm0, $0xb8;
	[tilespmem:$0x1C800] =	vst v63  }
0x242: {  	s14 =	simm.s32 $0x11000  }
0x243: {  	[tilespmem:s14], [sflag:$0x5] =	stream.indirect_vreg.gather [hbm4b:s1+s3], $0x80, v3, vm0, $0xb8;
	[tilespmem:$0x1C800] =	vst v63  }
0x244: {  	v3 =	vld [tilespmem:$0x2D0];
	_ =	sdelay $0x4  }
0x245: {  	v45 =	vshll.u32 v3, $0x1  }
0x246: {  	v3 =	vand.u32 $0x7, v3;
	v4 =	vand.u32 $0xFFFFFFF0, v45  }
0x247: {  	v3 =	vor.u32 v3, v4  }
0x248: {  	v4 =	vperm.xlane v3, v0;
	_ =	sdelay $0x1  }
0x249: {  	v3 =	vperm.xlane v3, v2;
	v4 =	vadd.s32 v1, v4;
	_ =	sdelay $0x1  }
0x24a: {  	v3 =	vadd.s32 v1, v3;
	_ =	sdelay $0x1  }
0x24b: {  	s13 =	simm.s32 $0x11800  }
0x24c: {  	[tilespmem:s13], [sflag:$0x5] =	stream.indirect_vreg.gather [hbm4b:s1+s3], $0x80, v4, vm0, $0xb8;
	[tilespmem:$0x1C800] =	vst v63  }
0x24d: {  	s14 =	simm.s32 $0x12000  }
0x24e: {  	[tilespmem:s14], [sflag:$0x5] =	stream.indirect_vreg.gather [hbm4b:s1+s3], $0x80, v3, vm0, $0xb8;
	[tilespmem:$0x1C800] =	vst v63  }
0x24f: {  	v3 =	vld [tilespmem:$0x2E0];
	_ =	sdelay $0x4  }
0x250: {  	v46 =	vshll.u32 v3, $0x1  }
0x251: {  	v3 =	vand.u32 $0x7, v3;
	v4 =	vand.u32 $0xFFFFFFF0, v46  }
0x252: {  	v3 =	vor.u32 v3, v4  }
0x253: {  	v4 =	vperm.xlane v3, v0;
	_ =	sdelay $0x1  }
0x254: {  	v3 =	vperm.xlane v3, v2;
	v4 =	vadd.s32 v1, v4;
	_ =	sdelay $0x1  }
0x255: {  	v3 =	vadd.s32 v1, v3;
	_ =	sdelay $0x1  }
0x256: {  	s13 =	simm.s32 $0x12800  }
0x257: {  	[tilespmem:s13], [sflag:$0x5] =	stream.indirect_vreg.gather [hbm4b:s1+s3], $0x80, v4, vm0, $0xb8;
	[tilespmem:$0x1C800] =	vst v63  }
0x258: {  	s14 =	simm.s32 $0x13000  }
0x259: {  	[tilespmem:s14], [sflag:$0x5] =	stream.indirect_vreg.gather [hbm4b:s1+s3], $0x80, v3, vm0, $0xb8;
	[tilespmem:$0x1C800] =	vst v63  }
0x25a: {  	v3 =	vld [tilespmem:$0x2F0];
	_ =	sdelay $0x4  }
0x25b: {  	v47 =	vshll.u32 v3, $0x1  }
0x25c: {  	v3 =	vand.u32 $0x7, v3;
	v4 =	vand.u32 $0xFFFFFFF0, v47  }
0x25d: {  	v3 =	vor.u32 v3, v4  }
0x25e: {  	v4 =	vperm.xlane v3, v0;
	_ =	sdelay $0x1  }
0x25f: {  	v3 =	vperm.xlane v3, v2;
	v4 =	vadd.s32 v1, v4;
	_ =	sdelay $0x1  }
0x260: {  	v3 =	vadd.s32 v1, v3;
	_ =	sdelay $0x1  }
0x261: {  	s13 =	simm.s32 $0x13800  }
0x262: {  	[tilespmem:s13], [sflag:$0x5] =	stream.indirect_vreg.gather [hbm4b:s1+s3], $0x80, v4, vm0, $0xb8;
	[tilespmem:$0x1C800] =	vst v63  }
0x263: {  	s14 =	simm.s32 $0x14000  }
0x264: {  	[tilespmem:s14], [sflag:$0x5] =	stream.indirect_vreg.gather [hbm4b:s1+s3], $0x80, v3, vm0, $0xb8;
	[tilespmem:$0x1C800] =	vst v63  }
0x265: {  	_ =	swait.ge [sflag:s21], $0x4000  }
0x266: {  	[sflag:s21] =	ssyncset.done $0x0  }
0x267: {  	s13 =	rddreg [dreg:$0xc];
	[sflag:s21] =	ssyncadd.s32 $0xFFFFC000  }
0x268: {  	[hbm4b:s13+s3] =	stream.linear.scatter [tilespmem:s24], [sflag:$0x8], $0x4000, $0x38;
	[tilespmem:$0x1C800] =	vst v63  }
0x269: {  	s13 =	simm.s32 $0xD  }
0x26a: {  	_ =	swait.ge [sflag:s13], $0x4000  }
0x26b: {  	[sflag:s13] =	ssyncset.done $0x0  }
0x26c: {  	[sflag:s13] =	ssyncadd.s32 $0xFFFFC000  }
0x26d: {  	v3 =	vld [tilespmem:$0x300];
	_ =	sdelay $0x4  }
0x26e: {  	v48 =	vshll.u32 v3, $0x1  }
0x26f: {  	v3 =	vand.u32 $0x7, v3;
	v4 =	vand.u32 $0xFFFFFFF0, v48  }
0x270: {  	v3 =	vor.u32 v3, v4  }
0x271: {  	v4 =	vperm.xlane v3, v0;
	_ =	sdelay $0x1  }
0x272: {  	v3 =	vperm.xlane v3, v2;
	v4 =	vadd.s32 v1, v4;
	_ =	sdelay $0x1  }
0x273: {  	v3 =	vadd.s32 v1, v3;
	_ =	sdelay $0x2  }
0x274: {  	[tilespmem:s7], [sflag:$0x6] =	stream.indirect_vreg.gather [hbm4b:s1+s3], $0x80, v4, vm0, $0xb8;
	[tilespmem:$0x1C800] =	vst v63  }
0x275: {  	s14 =	simm.s32 $0x15000  }
0x276: {  	[tilespmem:s14], [sflag:$0x6] =	stream.indirect_vreg.gather [hbm4b:s1+s3], $0x80, v3, vm0, $0xb8;
	[tilespmem:$0x1C800] =	vst v63  }
0x277: {  	v3 =	vld [tilespmem:$0x310];
	_ =	sdelay $0x4  }
0x278: {  	v49 =	vshll.u32 v3, $0x1  }
0x279: {  	v3 =	vand.u32 $0x7, v3;
	v4 =	vand.u32 $0xFFFFFFF0, v49  }
0x27a: {  	v3 =	vor.u32 v3, v4  }
0x27b: {  	v4 =	vperm.xlane v3, v0;
	_ =	sdelay $0x1  }
0x27c: {  	v3 =	vperm.xlane v3, v2;
	v4 =	vadd.s32 v1, v4;
	_ =	sdelay $0x1  }
0x27d: {  	v3 =	vadd.s32 v1, v3;
	_ =	sdelay $0x1  }
0x27e: {  	s14 =	simm.s32 $0x15800  }
0x27f: {  	[tilespmem:s14], [sflag:$0x6] =	stream.indirect_vreg.gather [hbm4b:s1+s3], $0x80, v4, vm0, $0xb8;
	[tilespmem:$0x1C800] =	vst v63  }
0x280: {  	s14 =	simm.s32 $0x16000  }
0x281: {  	[tilespmem:s14], [sflag:$0x6] =	stream.indirect_vreg.gather [hbm4b:s1+s3], $0x80, v3, vm0, $0xb8;
	[tilespmem:$0x1C800] =	vst v63  }
0x282: {  	v3 =	vld [tilespmem:$0x320];
	_ =	sdelay $0x4  }
0x283: {  	v50 =	vshll.u32 v3, $0x1  }
0x284: {  	v3 =	vand.u32 $0x7, v3;
	v4 =	vand.u32 $0xFFFFFFF0, v50  }
0x285: {  	v3 =	vor.u32 v3, v4  }
0x286: {  	v4 =	vperm.xlane v3, v0;
	_ =	sdelay $0x1  }
0x287: {  	v3 =	vperm.xlane v3, v2;
	v4 =	vadd.s32 v1, v4;
	_ =	sdelay $0x1  }
0x288: {  	v3 =	vadd.s32 v1, v3;
	_ =	sdelay $0x1  }
0x289: {  	s14 =	simm.s32 $0x16800  }
0x28a: {  	[tilespmem:s14], [sflag:$0x6] =	stream.indirect_vreg.gather [hbm4b:s1+s3], $0x80, v4, vm0, $0xb8;
	[tilespmem:$0x1C800] =	vst v63  }
0x28b: {  	s14 =	simm.s32 $0x17000  }
0x28c: {  	[tilespmem:s14], [sflag:$0x6] =	stream.indirect_vreg.gather [hbm4b:s1+s3], $0x80, v3, vm0, $0xb8;
	[tilespmem:$0x1C800] =	vst v63  }
0x28d: {  	v3 =	vld [tilespmem:$0x330];
	_ =	sdelay $0x4  }
0x28e: {  	v51 =	vshll.u32 v3, $0x1  }
0x28f: {  	v3 =	vand.u32 $0x7, v3;
	v4 =	vand.u32 $0xFFFFFFF0, v51  }
0x290: {  	v3 =	vor.u32 v3, v4  }
0x291: {  	v4 =	vperm.xlane v3, v0;
	_ =	sdelay $0x1  }
0x292: {  	v3 =	vperm.xlane v3, v2;
	v4 =	vadd.s32 v1, v4;
	_ =	sdelay $0x1  }
0x293: {  	v3 =	vadd.s32 v1, v3;
	_ =	sdelay $0x1  }
0x294: {  	s14 =	simm.s32 $0x17800  }
0x295: {  	[tilespmem:s14], [sflag:$0x6] =	stream.indirect_vreg.gather [hbm4b:s1+s3], $0x80, v4, vm0, $0xb8;
	[tilespmem:$0x1C800] =	vst v63  }
0x296: {  	s14 =	simm.s32 $0x18000  }
0x297: {  	[tilespmem:s14], [sflag:$0x6] =	stream.indirect_vreg.gather [hbm4b:s1+s3], $0x80, v3, vm0, $0xb8;
	[tilespmem:$0x1C800] =	vst v63  }
0x298: {  	_ =	swait.ge [sflag:s17], $0x4000  }
0x299: {  	[sflag:s17] =	ssyncset.done $0x0  }
0x29a: {  	s14 =	rddreg [dreg:$0xd];
	[sflag:s17] =	ssyncadd.s32 $0xFFFFC000  }
0x29b: {  	[hbm4b:s14+s3] =	stream.linear.scatter [tilespmem:s18], [sflag:$0x9], $0x4000, $0x38;
	[tilespmem:$0x1C800] =	vst v63  }
0x29c: {  	s14 =	simm.s32 $0xE  }
0x29d: {  	_ =	swait.ge [sflag:s14], $0x4000  }
0x29e: {  	[sflag:s14] =	ssyncset.done $0x0  }
0x29f: {  	[sflag:s14] =	ssyncadd.s32 $0xFFFFC000  }
0x2a0: {  	v3 =	vld [tilespmem:$0x340];
	_ =	sdelay $0x4  }
0x2a1: {  	v52 =	vshll.u32 v3, $0x1  }
0x2a2: {  	v3 =	vand.u32 $0x7, v3;
	v4 =	vand.u32 $0xFFFFFFF0, v52  }
0x2a3: {  	v3 =	vor.u32 v3, v4  }
0x2a4: {  	v4 =	vperm.xlane v3, v0;
	_ =	sdelay $0x1  }
0x2a5: {  	v3 =	vperm.xlane v3, v2;
	v4 =	vadd.s32 v1, v4;
	_ =	sdelay $0x1  }
0x2a6: {  	v3 =	vadd.s32 v1, v3;
	_ =	sdelay $0x2  }
0x2a7: {  	[tilespmem:s6], [sflag:$0x7] =	stream.indirect_vreg.gather [hbm4b:s1+s3], $0x80, v4, vm0, $0xb8;
	[tilespmem:$0x1C800] =	vst v63  }
0x2a8: {  	s5 =	simm.s32 $0x19000  }
0x2a9: {  	[tilespmem:s5], [sflag:$0x7] =	stream.indirect_vreg.gather [hbm4b:s1+s3], $0x80, v3, vm0, $0xb8;
	[tilespmem:$0x1C800] =	vst v63  }
0x2aa: {  	v3 =	vld [tilespmem:$0x350];
	_ =	sdelay $0x4  }
0x2ab: {  	v53 =	vshll.u32 v3, $0x1  }
0x2ac: {  	v3 =	vand.u32 $0x7, v3;
	v4 =	vand.u32 $0xFFFFFFF0, v53  }
0x2ad: {  	v3 =	vor.u32 v3, v4  }
0x2ae: {  	v4 =	vperm.xlane v3, v0;
	_ =	sdelay $0x1  }
0x2af: {  	v3 =	vperm.xlane v3, v2;
	v4 =	vadd.s32 v1, v4;
	_ =	sdelay $0x1  }
0x2b0: {  	v3 =	vadd.s32 v1, v3;
	_ =	sdelay $0x1  }
0x2b1: {  	s5 =	simm.s32 $0x19800  }
0x2b2: {  	[tilespmem:s5], [sflag:$0x7] =	stream.indirect_vreg.gather [hbm4b:s1+s3], $0x80, v4, vm0, $0xb8;
	[tilespmem:$0x1C800] =	vst v63  }
0x2b3: {  	s5 =	simm.s32 $0x1A000  }
0x2b4: {  	[tilespmem:s5], [sflag:$0x7] =	stream.indirect_vreg.gather [hbm4b:s1+s3], $0x80, v3, vm0, $0xb8;
	[tilespmem:$0x1C800] =	vst v63  }
0x2b5: {  	v3 =	vld [tilespmem:$0x360];
	_ =	sdelay $0x4  }
0x2b6: {  	v54 =	vshll.u32 v3, $0x1  }
0x2b7: {  	v3 =	vand.u32 $0x7, v3;
	v4 =	vand.u32 $0xFFFFFFF0, v54  }
0x2b8: {  	v3 =	vor.u32 v3, v4  }
0x2b9: {  	v4 =	vperm.xlane v3, v0;
	_ =	sdelay $0x1  }
0x2ba: {  	v3 =	vperm.xlane v3, v2;
	v4 =	vadd.s32 v1, v4;
	_ =	sdelay $0x1  }
0x2bb: {  	v3 =	vadd.s32 v1, v3;
	_ =	sdelay $0x1  }
0x2bc: {  	s5 =	simm.s32 $0x1A800  }
0x2bd: {  	[tilespmem:s5], [sflag:$0x7] =	stream.indirect_vreg.gather [hbm4b:s1+s3], $0x80, v4, vm0, $0xb8;
	[tilespmem:$0x1C800] =	vst v63  }
0x2be: {  	s5 =	simm.s32 $0x1B000  }
0x2bf: {  	[tilespmem:s5], [sflag:$0x7] =	stream.indirect_vreg.gather [hbm4b:s1+s3], $0x80, v3, vm0, $0xb8;
	[tilespmem:$0x1C800] =	vst v63  }
0x2c0: {  	v3 =	vld [tilespmem:$0x370];
	_ =	sdelay $0x4  }
0x2c1: {  	v55 =	vshll.u32 v3, $0x1  }
0x2c2: {  	v3 =	vand.u32 $0x7, v3;
	v4 =	vand.u32 $0xFFFFFFF0, v55  }
0x2c3: {  	v3 =	vor.u32 v3, v4  }
0x2c4: {  	v4 =	vperm.xlane v3, v0;
	_ =	sdelay $0x1  }
0x2c5: {  	v3 =	vperm.xlane v3, v2;
	v4 =	vadd.s32 v1, v4;
	_ =	sdelay $0x1  }
0x2c6: {  	v3 =	vadd.s32 v1, v3;
	_ =	sdelay $0x1  }
0x2c7: {  	s5 =	simm.s32 $0x1B800  }
0x2c8: {  	[tilespmem:s5], [sflag:$0x7] =	stream.indirect_vreg.gather [hbm4b:s1+s3], $0x80, v4, vm0, $0xb8;
	[tilespmem:$0x1C800] =	vst v63  }
0x2c9: {  	s5 =	simm.s32 $0x1C000  }
0x2ca: {  	[tilespmem:s5], [sflag:$0x7] =	stream.indirect_vreg.gather [hbm4b:s1+s3], $0x80, v3, vm0, $0xb8;
	[tilespmem:$0x1C800] =	vst v63  }
0x2cb: {  	_ =	swait.ge [sflag:s0], $0x4000  }
0x2cc: {  	[sflag:s0] =	ssyncset.done $0x0  }
0x2cd: {  	[sflag:s0] =	ssyncadd.s32 $0xFFFFC000;
	s0 =	rddreg [dreg:$0xe]  }
0x2ce: {  	[hbm4b:s0+s3] =	stream.linear.scatter [tilespmem:s23], [sflag:$0xA], $0x4000, $0x38;
	[tilespmem:$0x1C800] =	vst v63  }
0x2cf: {  	_ =	swait.ge [sflag:s20], $0x4000  }
0x2d0: {  	[sflag:s20] =	ssyncset.done $0x0  }
0x2d1: {  	[sflag:s20] =	ssyncadd.s32 $0xFFFFC000  }
0x2d2: {  	v3 =	vld [tilespmem:$0x380];
	_ =	sdelay $0x4  }
0x2d3: {  	v56 =	vshll.u32 v3, $0x1  }
0x2d4: {  	v3 =	vand.u32 $0x7, v3;
	v4 =	vand.u32 $0xFFFFFFF0, v56  }
0x2d5: {  	v3 =	vor.u32 v3, v4  }
0x2d6: {  	v4 =	vperm.xlane v3, v0;
	_ =	sdelay $0x1  }
0x2d7: {  	v3 =	vperm.xlane v3, v2;
	v4 =	vadd.s32 v1, v4;
	_ =	sdelay $0x1  }
0x2d8: {  	v3 =	vadd.s32 v1, v3;
	_ =	sdelay $0x2  }
0x2d9: {  	[tilespmem:s24], [sflag:$0x1] =	stream.indirect_vreg.gather [hbm4b:s1+s3], $0x80, v4, vm0, $0xb8;
	[tilespmem:$0x1C800] =	vst v63  }
0x2da: {  	s5 =	simm.s32 $0x1000  }
0x2db: {  	[tilespmem:s5], [sflag:$0x1] =	stream.indirect_vreg.gather [hbm4b:s1+s3], $0x80, v3, vm0, $0xb8;
	[tilespmem:$0x1C800] =	vst v63  }
0x2dc: {  	v3 =	vld [tilespmem:$0x390];
	_ =	sdelay $0x4  }
0x2dd: {  	v57 =	vshll.u32 v3, $0x1  }
0x2de: {  	v3 =	vand.u32 $0x7, v3;
	v4 =	vand.u32 $0xFFFFFFF0, v57  }
0x2df: {  	v3 =	vor.u32 v3, v4  }
0x2e0: {  	v4 =	vperm.xlane v3, v0;
	_ =	sdelay $0x1  }
0x2e1: {  	v3 =	vperm.xlane v3, v2;
	v4 =	vadd.s32 v1, v4;
	_ =	sdelay $0x1  }
0x2e2: {  	v3 =	vadd.s32 v1, v3;
	_ =	sdelay $0x1  }
0x2e3: {  	s5 =	simm.s32 $0x1800  }
0x2e4: {  	[tilespmem:s5], [sflag:$0x1] =	stream.indirect_vreg.gather [hbm4b:s1+s3], $0x80, v4, vm0, $0xb8;
	[tilespmem:$0x1C800] =	vst v63  }
0x2e5: {  	s5 =	simm.s32 $0x2000  }
0x2e6: {  	[tilespmem:s5], [sflag:$0x1] =	stream.indirect_vreg.gather [hbm4b:s1+s3], $0x80, v3, vm0, $0xb8;
	[tilespmem:$0x1C800] =	vst v63  }
0x2e7: {  	v3 =	vld [tilespmem:$0x3A0];
	_ =	sdelay $0x4  }
0x2e8: {  	v58 =	vshll.u32 v3, $0x1  }
0x2e9: {  	v3 =	vand.u32 $0x7, v3;
	v4 =	vand.u32 $0xFFFFFFF0, v58  }
0x2ea: {  	v3 =	vor.u32 v3, v4  }
0x2eb: {  	v4 =	vperm.xlane v3, v0;
	_ =	sdelay $0x1  }
0x2ec: {  	v3 =	vperm.xlane v3, v2;
	v4 =	vadd.s32 v1, v4;
	_ =	sdelay $0x1  }
0x2ed: {  	v3 =	vadd.s32 v1, v3;
	_ =	sdelay $0x1  }
0x2ee: {  	s5 =	simm.s32 $0x2800  }
0x2ef: {  	[tilespmem:s5], [sflag:$0x1] =	stream.indirect_vreg.gather [hbm4b:s1+s3], $0x80, v4, vm0, $0xb8;
	[tilespmem:$0x1C800] =	vst v63  }
0x2f0: {  	s5 =	simm.s32 $0x3000  }
0x2f1: {  	[tilespmem:s5], [sflag:$0x1] =	stream.indirect_vreg.gather [hbm4b:s1+s3], $0x80, v3, vm0, $0xb8;
	[tilespmem:$0x1C800] =	vst v63  }
0x2f2: {  	v3 =	vld [tilespmem:$0x3B0];
	_ =	sdelay $0x4  }
0x2f3: {  	v59 =	vshll.u32 v3, $0x1  }
0x2f4: {  	v3 =	vand.u32 $0x7, v3;
	v4 =	vand.u32 $0xFFFFFFF0, v59  }
0x2f5: {  	v3 =	vor.u32 v3, v4  }
0x2f6: {  	v4 =	vperm.xlane v3, v0;
	_ =	sdelay $0x1  }
0x2f7: {  	v3 =	vperm.xlane v3, v2;
	v4 =	vadd.s32 v1, v4;
	_ =	sdelay $0x1  }
0x2f8: {  	v3 =	vadd.s32 v1, v3;
	_ =	sdelay $0x1  }
0x2f9: {  	s5 =	simm.s32 $0x3800  }
0x2fa: {  	[tilespmem:s5], [sflag:$0x1] =	stream.indirect_vreg.gather [hbm4b:s1+s3], $0x80, v4, vm0, $0xb8;
	[tilespmem:$0x1C800] =	vst v63  }
0x2fb: {  	s5 =	simm.s32 $0x4000  }
0x2fc: {  	[tilespmem:s5], [sflag:$0x1] =	stream.indirect_vreg.gather [hbm4b:s1+s3], $0x80, v3, vm0, $0xb8;
	[tilespmem:$0x1C800] =	vst v63  }
0x2fd: {  	_ =	swait.ge [sflag:s2], $0x4000  }
0x2fe: {  	[sflag:s2] =	ssyncset.done $0x0  }
0x2ff: {  	[sflag:s2] =	ssyncadd.s32 $0xFFFFC000;
	s2 =	rddreg [dreg:$0xf]  }
0x300: {  	[hbm4b:s2+s3] =	stream.linear.scatter [tilespmem:s19], [sflag:$0xB], $0x4000, $0x38;
	[tilespmem:$0x1C800] =	vst v63  }
0x301: {  	_ =	swait.ge [sflag:s22], $0x4000  }
0x302: {  	[sflag:s22] =	ssyncset.done $0x0  }
0x303: {  	[sflag:s22] =	ssyncadd.s32 $0xFFFFC000  }
0x304: {  	v3 =	vld [tilespmem:$0x3C0];
	_ =	sdelay $0x4  }
0x305: {  	v60 =	vshll.u32 v3, $0x1  }
0x306: {  	v3 =	vand.u32 $0x7, v3;
	v4 =	vand.u32 $0xFFFFFFF0, v60  }
0x307: {  	v3 =	vor.u32 v3, v4  }
0x308: {  	v4 =	vperm.xlane v3, v0;
	_ =	sdelay $0x1  }
0x309: {  	v3 =	vperm.xlane v3, v2;
	v4 =	vadd.s32 v1, v4;
	_ =	sdelay $0x1  }
0x30a: {  	v3 =	vadd.s32 v1, v3;
	_ =	sdelay $0x2  }
0x30b: {  	[tilespmem:s18], [sflag:$0x2] =	stream.indirect_vreg.gather [hbm4b:s1+s3], $0x80, v4, vm0, $0xb8;
	[tilespmem:$0x1C800] =	vst v63  }
0x30c: {  	s5 =	simm.s32 $0x5000  }
0x30d: {  	[tilespmem:s5], [sflag:$0x2] =	stream.indirect_vreg.gather [hbm4b:s1+s3], $0x80, v3, vm0, $0xb8;
	[tilespmem:$0x1C800] =	vst v63  }
0x30e: {  	v3 =	vld [tilespmem:$0x3D0];
	_ =	sdelay $0x4  }
0x30f: {  	v61 =	vshll.u32 v3, $0x1  }
0x310: {  	v3 =	vand.u32 $0x7, v3;
	v4 =	vand.u32 $0xFFFFFFF0, v61  }
0x311: {  	v3 =	vor.u32 v3, v4  }
0x312: {  	v4 =	vperm.xlane v3, v0;
	_ =	sdelay $0x1  }
0x313: {  	v3 =	vperm.xlane v3, v2;
	v4 =	vadd.s32 v1, v4;
	_ =	sdelay $0x1  }
0x314: {  	v3 =	vadd.s32 v1, v3;
	_ =	sdelay $0x1  }
0x315: {  	s2 =	simm.s32 $0x5800  }
0x316: {  	[tilespmem:s2], [sflag:$0x2] =	stream.indirect_vreg.gather [hbm4b:s1+s3], $0x80, v4, vm0, $0xb8;
	[tilespmem:$0x1C800] =	vst v63  }
0x317: {  	s5 =	simm.s32 $0x6000  }
0x318: {  	[tilespmem:s5], [sflag:$0x2] =	stream.indirect_vreg.gather [hbm4b:s1+s3], $0x80, v3, vm0, $0xb8;
	[tilespmem:$0x1C800] =	vst v63  }
0x319: {  	v3 =	vld [tilespmem:$0x3E0];
	_ =	sdelay $0x4  }
0x31a: {  	v62 =	vshll.u32 v3, $0x1  }
0x31b: {  	v3 =	vand.u32 $0x7, v3;
	v4 =	vand.u32 $0xFFFFFFF0, v62  }
0x31c: {  	v3 =	vor.u32 v3, v4  }
0x31d: {  	v4 =	vperm.xlane v3, v0;
	_ =	sdelay $0x1  }
0x31e: {  	v3 =	vperm.xlane v3, v2;
	v4 =	vadd.s32 v1, v4;
	_ =	sdelay $0x1  }
0x31f: {  	v3 =	vadd.s32 v1, v3;
	_ =	sdelay $0x1  }
0x320: {  	s2 =	simm.s32 $0x6800  }
0x321: {  	[tilespmem:s2], [sflag:$0x2] =	stream.indirect_vreg.gather [hbm4b:s1+s3], $0x80, v4, vm0, $0xb8;
	[tilespmem:$0x1C800] =	vst v63  }
0x322: {  	s5 =	simm.s32 $0x7000  }
0x323: {  	[tilespmem:s5], [sflag:$0x2] =	stream.indirect_vreg.gather [hbm4b:s1+s3], $0x80, v3, vm0, $0xb8;
	[tilespmem:$0x1C800] =	vst v63  }
0x324: {  	v3 =	vld [tilespmem:$0x3F0];
	_ =	sdelay $0x4  }
0x325: {  	v63 =	vshll.u32 v3, $0x1  }
0x326: {  	v3 =	vand.u32 $0x7, v3;
	v4 =	vand.u32 $0xFFFFFFF0, v63  }
0x327: {  	v3 =	vor.u32 v3, v4  }
0x328: {  	v4 =	vperm.xlane v3, v0;
	_ =	sdelay $0x1  }
0x329: {  	v3 =	vperm.xlane v3, v2;
	v4 =	vadd.s32 v1, v4;
	_ =	sdelay $0x1  }
0x32a: {  	v3 =	vadd.s32 v1, v3;
	_ =	sdelay $0x1  }
0x32b: {  	s2 =	simm.s32 $0x7800  }
0x32c: {  	[tilespmem:s2], [sflag:$0x2] =	stream.indirect_vreg.gather [hbm4b:s1+s3], $0x80, v4, vm0, $0xb8;
	[tilespmem:$0x1C800] =	vst v63  }
0x32d: {  	s5 =	simm.s32 $0x8000  }
0x32e: {  	[tilespmem:s5], [sflag:$0x2] =	stream.indirect_vreg.gather [hbm4b:s1+s3], $0x80, v3, vm0, $0xb8;
	[tilespmem:$0x1C800] =	vst v63  }
0x32f: {  	_ =	swait.ge [sflag:s15], $0x4000  }
0x330: {  	[sflag:s15] =	ssyncset.done $0x0  }
0x331: {  	s16 =	simm.s32 $0x10800;
	s2 =	rddreg [dreg:$0x10];
	[sflag:s15] =	ssyncadd.s32 $0xFFFFC000  }
0x332: {  	[hbm4b:s2+s3] =	stream.linear.scatter [tilespmem:s16], [sflag:$0xC], $0x4000, $0x38;
	[tilespmem:$0x1C800] =	vst v63  }
0x333: {  	_ =	swait.ge [sflag:s8], $0x4000  }
0x334: {  	[sflag:s8] =	ssyncset.done $0x0  }
0x335: {  	[sflag:s8] =	ssyncadd.s32 $0xFFFFC000;
	s8 =	rddreg [dreg:$0x11]  }
0x336: {  	[hbm4b:s8+s3] =	stream.linear.scatter [tilespmem:s7], [sflag:$0xD], $0x4000, $0x38;
	[tilespmem:$0x1C800] =	vst v63  }
0x337: {  	_ =	swait.ge [sflag:s10], $0x4000  }
0x338: {  	[sflag:s10] =	ssyncset.done $0x0  }
0x339: {  	[sflag:s10] =	ssyncadd.s32 $0xFFFFC000;
	s10 =	rddreg [dreg:$0x12]  }
0x33a: {  	[hbm4b:s10+s3] =	stream.linear.scatter [tilespmem:s6], [sflag:$0xE], $0x4000, $0x38;
	[tilespmem:$0x1C800] =	vst v63  }
0x33b: {  	_ =	swait.ge [sflag:s21], $0x4000  }
0x33c: {  	[sflag:s21] =	ssyncset.done $0x0  }
0x33d: {  	s15 =	rddreg [dreg:$0x13];
	[sflag:s21] =	ssyncadd.s32 $0xFFFFC000  }
0x33e: {  	[hbm4b:s15+s3] =	stream.linear.scatter [tilespmem:s24], [sflag:$0x8], $0x4000, $0x38;
	[tilespmem:$0x1C800] =	vst v63  }
0x33f: {  	_ =	swait.ge [sflag:s17], $0x4000  }
0x340: {  	[sflag:s17] =	ssyncset.done $0x0  }
0x341: {  	s16 =	rddreg [dreg:$0x14];
	[sflag:s17] =	ssyncadd.s32 $0xFFFFC000  }
0x342: {  	[hbm4b:s16+s3] =	stream.linear.scatter [tilespmem:s18], [sflag:$0x9], $0x4000, $0x38;
	[tilespmem:$0x1C800] =	vst v63  }
0x343: {  	_ =	swait.ge [sflag:s31], $0x4000  }
0x344: {  	[sflag:s31] =	ssyncset.done $0x0  }
0x345: {  	[sflag:s31] =	ssyncadd.s32 $0xFFFFC000  }
0x346: {  	_ =	swait.ge [sflag:s9], $0x4000  }
0x347: {  	[sflag:s9] =	ssyncset.done $0x0  }
0x348: {  	[sflag:s9] =	ssyncadd.s32 $0xFFFFC000  }
0x349: {  	_ =	swait.ge [sflag:s11], $0x4000  }
0x34a: {  	[sflag:s11] =	ssyncset.done $0x0  }
0x34b: {  	[sflag:s11] =	ssyncadd.s32 $0xFFFFC000  }
0x34c: {  	_ =	swait.ge [sflag:s13], $0x4000  }
0x34d: {  	[sflag:s13] =	ssyncset.done $0x0  }
0x34e: {  	[sflag:s13] =	ssyncadd.s32 $0xFFFFC000  }
0x34f: {  	_ =	swait.ge [sflag:s14], $0x4000  }
0x350: {  	[sflag:s14] =	ssyncset.done $0x0  }
0x351: {  	[sflag:s14] =	ssyncadd.s32 $0xFFFFC000  }
0x352: {  	_ =	swait.ge [sflag:s20], $0x4000  }
0x353: {  	[sflag:s20] =	ssyncset.done $0x0  }
0x354: {  	[sflag:s20] =	ssyncadd.s32 $0xFFFFC000  }
0x355: {  	_ =	swait.ge [sflag:s22], $0x4000  }
0x356: {  	s4 =	sadd.s32 $0x1, s4;
	s31 =	rddreg [dreg:$0x15]  }
0x357: {  	p0 =	sne.s32 s4, s31  }
.Ltmp1:
0x358: {  	_ = 	snop;
	(pc) =	sbr.rel @p0 .LBB2_1-.Ltmp1, $3  }
0x359: {  	_ =	sdelay $0x1  }
0x35a: {  	[sflag:s22] =	ssyncset.done $0x0  }
0x35b: {  	[sflag:s22] =	ssyncadd.s32 $0xFFFFC000  }
0x35c: {  	_ =	sfence.sel $0x180000  }
0x35d: {  	[bflag:$0x0] =	sbarrier.arrive $0xFFFF  }
0x35e: {  	_ =	strace $0x90000047  }
0x35f: {  	s0 =	stileid.u32;
	[bflag:$0x2] =	sbarrier.arrive $0xFFFF  }
0x360: {  	p0 =	sne.s32 s0, $0x0;
	s0 =	rddreg [dreg:$0x2]  }
0x361: {  	s0 =	sadd.s32 @!p0 $0x100000, s0  }
0x362: {  	[sflag:s0] =	ssyncadd.tile.s32 @!p0 $0x1;
	_ =	shalt  }
.Lfunc_end2:
_tile_overlayer_lowered:
.L_overlay_start_2:
0x363: {  	(tag) =	ssettag $0x2  }
0x364: {  	s0 =	rddreg [dreg:$0x0];
	s2 =	stileid.u32  }
0x365: {  	s1 =	rddreg [dreg:$0x1];
	p0 =	sne.s32 s2, $0x0  }
0x366: {  	s3 =	rddreg [dreg:$0x2];
	[bflag:$0x3] =	sbarrier.arrive $0xFFFF;
	s2 =	simm.s32 @!p0 $0x1C0F  }
0x367: {  	[timem:s3], [sflag:s2] =	dma.local @!p0 [hbm:s0], s1  }
0x368: {  	s0 =	simm.s32 @!p0 $0xF  }
0x369: {  	_ =	swait.ge @!p0 [sflag:s0], s1  }
0x36a: {  	s1 =	ssub.s32 @!p0 $0x0, s1;
	[sflag:s0] =	ssyncset.done @!p0 $0x0  }
0x36b: {  	[sflag:s0] =	ssyncadd.s32 @!p0 s1  }
0x36c: {  	[bflag:$0x3] =	sbarrier.arrive $0xFFFF  }
0x36d: {  	_ =	shalt  }

</sc_bundles>
